<compile_context>
chip_gen: v7x
topology: tpu7x:2x2x1
jax: 0.10.2.dev20260603
libtpu: 0.0.44.dev20260713+nightly
codegen_flags: <defaults>
</compile_context>

<pallas_src>
import functools

import jax
import jax.numpy as jnp
from jax import lax
from jax.experimental import pallas as pl
from jax.experimental.pallas import tpu as pltpu
from jax.experimental.pallas import tpu_sc as plsc

ROWS = 128
COLS = 32768
L = 16
NC = 2
NS = 16
SC_ROWS = NC * NS
TC_ROWS = ROWS - SC_ROWS
TC_BLK = 32
NBLK = TC_ROWS // TC_BLK
UNROLL = 8
PUNROLL = 2
CHUNK = COLS // 4
NBUF = 3
_GATHER_DNUMS = lax.GatherDimensionNumbers(
    offset_dims=(), collapsed_slice_dims=(0,), start_index_map=(0,)
)


def _permute(x, idx):
    return lax.gather(
        x,
        idx[:, None],
        _GATHER_DNUMS,
        slice_sizes=(1,),
        mode=lax.GatherScatterMode.PROMISE_IN_BOUNDS,
    )


def _allreduce_min(v, lane_iota):
    for d in (8, 4, 2, 1):
        v = jnp.minimum(v, _permute(v, lane_iota ^ d))
    return v


def _sc_argmin(x):
    mesh = plsc.VectorSubcoreMesh(core_axis_name="c", subcore_axis_name="s")

    @functools.partial(
        pl.kernel,
        mesh=mesh,
        out_type=jax.ShapeDtypeStruct((SC_ROWS,), jnp.int32),
        scratch_types=[
            pltpu.VMEM((CHUNK,), jnp.float32),
            pltpu.VMEM((CHUNK,), jnp.float32),
            pltpu.VMEM((CHUNK,), jnp.float32),
            pltpu.VMEM((L,), jnp.int32),
            pltpu.VMEM((NS * L,), jnp.int32),
            pltpu.VMEM_SHARED((NS * L,), jnp.int32),
            pltpu.SemaphoreType.DMA,
            pltpu.SemaphoreType.DMA,
            pltpu.SemaphoreType.DMA,
        ],
    )
    def k(x_hbm, out_hbm, buf0, buf1, buf2, res_v, stg_v, stage_s,
          sem0, sem1, sem2):
        cid = lax.axis_index("c")
        sid = lax.axis_index("s")
        wid = cid * NS + sid
        lane_iota = lax.iota(jnp.int32, L)
        bufs = (buf0, buf1, buf2)
        sems = (sem0, sem1, sem2)

        carry = (
            [jnp.full((L,), jnp.inf, jnp.float32) for _ in range(UNROLL)],
            [jnp.zeros((L,), jnp.int32) for _ in range(UNROLL)],
        )
        nchunks = COLS // CHUNK
        pend = [
            pltpu.async_copy(
                x_hbm.at[wid, pl.ds(c * CHUNK, CHUNK)], bufs[c], sems[c]
            )
            for c in range(NBUF - 1)
        ]
        for c in range(nchunks):
            if c + NBUF - 1 < nchunks:
                pend.append(
                    pltpu.async_copy(
                        x_hbm.at[wid, pl.ds((c + NBUF - 1) * CHUNK, CHUNK)],
                        bufs[(c + NBUF - 1) % NBUF],
                        sems[(c + NBUF - 1) % NBUF],
                    )
                )
            pend[c].wait()
            buf = bufs[c % NBUF]
            off = c * CHUNK

            @plsc.parallel_loop(
                0, CHUNK, L * UNROLL, unroll=PUNROLL, carry=carry
            )
            def chunk_scan(i, carry, buf=buf, off=off):
                best, bi = carry
                ivec = jnp.full((L,), i + off, jnp.int32)
                for u in range(UNROLL):
                    v = buf[pl.ds(i + u * L, L)]
                    m = v < best[u]
                    best[u] = jnp.minimum(v, best[u])
                    bi[u] = jnp.where(m, ivec, bi[u])
                return best, bi

            carry = chunk_scan

        best, bi = carry
        bidx = [bi[u] + (lane_iota + u * L) for u in range(UNROLL)]
        bestv, bestidx = best[0], bidx[0]
        for u in range(1, UNROLL):
            m = best[u] < bestv
            e = best[u] == bestv
            bestv = jnp.where(m, best[u], bestv)
            bestidx = jnp.where(m | (e & (bidx[u] < bestidx)), bidx[u], bestidx)
        mv = _allreduce_min(bestv, lane_iota)
        cand = jnp.where(bestv == mv, bestidx, jnp.int32(2**31 - 1))
        idx = _allreduce_min(cand, lane_iota)

        res_v[...] = idx
        pltpu.sync_copy(res_v, stage_s.at[pl.ds(sid * L, L)])
        plsc.subcore_barrier()

        @pl.when(sid == 0)
        def _():
            pltpu.sync_copy(stage_s, stg_v)
            acc = jnp.zeros((L,), jnp.int32)
            for l in range(NS):
                acc = jnp.where(lane_iota == l, stg_v[pl.ds(l * L, L)], acc)
            res_v[...] = acc
            pltpu.sync_copy(res_v, out_hbm.at[pl.ds(cid * NS, NS)])

    return k(x)


def _tc_argmin(x):

    def body(x_ref, o_ref):
        idx = jnp.argmin(x_ref[...], axis=1).astype(jnp.int32)
        o_ref[...] = idx.reshape(1, 1, TC_BLK)

    return pl.pallas_call(
        body,
        grid=(NBLK,),
        in_specs=[
            pl.BlockSpec(
                (TC_BLK, COLS), lambda i: (i + SC_ROWS // TC_BLK, 0)
            )
        ],
        out_specs=pl.BlockSpec((1, 1, TC_BLK), lambda i: (i, 0, 0)),
        out_shape=jax.ShapeDtypeStruct((NBLK, 1, TC_BLK), jnp.int32),
    )(x)


def kernel(x):
    y_tc = _tc_argmin(x).reshape(TC_ROWS)
    y_sc = _sc_argmin(x)
    y = jnp.concatenate([y_sc, y_tc])
    return (y.reshape(ROWS, 1), y)

# --- scband reference (transcript-rebuilt; emitter-appended) ---
"""Pipeline reference for scband-model-33397665694585 (READ-ONLY COPY).

The authoritative reference and input builder live on the scoring server;
editing this copy changes nothing except your own understanding.
"""

import jax, jax.numpy as jnp
import numpy as np


def setup_inputs(seed: int = 0) -> dict:
    key = jax.random.key(seed)
    x = jax.random.normal(key, (128, 32768), dtype=jnp.float32)
    return {"x": x}


def reference(x):
    # Faithful translation of torch.argmin with keepdim=True and keepdim=False
    y_keepdims_true = jnp.argmin(x, axis=1, keepdims=True)
    y_keepdims_false = jnp.argmin(x, axis=1)
    return (y_keepdims_true, y_keepdims_false)

if __name__ == "__main__":
    import jax
    _d = setup_inputs()
    print(jax.jit(kernel)(*tuple(_d.values())))

</pallas_src>

<mosaic_0001>
#map = affine_map<(d0, d1) -> (0, 0)>
#map1 = affine_map<(d0, d1) -> (0)>
module attributes {stable_mosaic.version = 14 : i64} {
  func.func @k(%arg0: i32, %arg1: i32, %arg2: memref<128x32768xf32, #tpu.memory_space<hbm>>, %arg3: memref<32xi32, #tpu.memory_space<hbm>>, %arg4: memref<8192xf32, #tpu.memory_space<vmem>>, %arg5: memref<8192xf32, #tpu.memory_space<vmem>>, %arg6: memref<8192xf32, #tpu.memory_space<vmem>>, %arg7: memref<16xi32, #tpu.memory_space<vmem>>, %arg8: memref<256xi32, #tpu.memory_space<vmem>>, %arg9: memref<256xi32, #tpu.memory_space<vmem_shared>>, %arg10: memref<!tpu.dma_semaphore, #tpu.memory_space<semaphore_mem>>, %arg11: memref<!tpu.dma_semaphore, #tpu.memory_space<semaphore_mem>>, %arg12: memref<!tpu.dma_semaphore, #tpu.memory_space<semaphore_mem>>) attributes {dimension_semantics = [#tpu.dimension_semantics<core_parallel>, #tpu.dimension_semantics<subcore_parallel>], iteration_bounds = array<i64: 2, 16>, scalar_prefetch = 0 : i64, scratch_operands = 9 : i64, tpu.core_type = #tpu.core_type<sc_vector_subcore>, window_params = [{transform_indices = #map}, {transform_indices = #map1}]} {
    %mul3A = arith.constant 16 : i32
    %mul3A_0 = arith.muli %arg0, %mul3A : i32
    %add3A = arith.addi %mul3A_0, %arg1 : i32
    %iota3A = tpu.iota {dimensions = array<i32: 0>} : vector<16xi32>
    %broadcast_in_dim3A = arith.constant 0x7F800000 : f32
    %broadcast_in_dim3A_1 = vector.broadcast %broadcast_in_dim3A : f32 to vector<16xf32>
    %broadcast_in_dim3A_2 = arith.constant 0x7F800000 : f32
    %broadcast_in_dim3A_3 = vector.broadcast %broadcast_in_dim3A_2 : f32 to vector<16xf32>
    %broadcast_in_dim3A_4 = arith.constant 0x7F800000 : f32
    %broadcast_in_dim3A_5 = vector.broadcast %broadcast_in_dim3A_4 : f32 to vector<16xf32>
    %broadcast_in_dim3A_6 = arith.constant 0x7F800000 : f32
    %broadcast_in_dim3A_7 = vector.broadcast %broadcast_in_dim3A_6 : f32 to vector<16xf32>
    %broadcast_in_dim3A_8 = arith.constant 0x7F800000 : f32
    %broadcast_in_dim3A_9 = vector.broadcast %broadcast_in_dim3A_8 : f32 to vector<16xf32>
    %broadcast_in_dim3A_10 = arith.constant 0x7F800000 : f32
    %broadcast_in_dim3A_11 = vector.broadcast %broadcast_in_dim3A_10 : f32 to vector<16xf32>
    %broadcast_in_dim3A_12 = arith.constant 0x7F800000 : f32
    %broadcast_in_dim3A_13 = vector.broadcast %broadcast_in_dim3A_12 : f32 to vector<16xf32>
    %broadcast_in_dim3A_14 = arith.constant 0x7F800000 : f32
    %broadcast_in_dim3A_15 = vector.broadcast %broadcast_in_dim3A_14 : f32 to vector<16xf32>
    %broadcast_in_dim3A_16 = arith.constant 0 : i32
    %broadcast_in_dim3A_17 = vector.broadcast %broadcast_in_dim3A_16 : i32 to vector<16xi32>
    %broadcast_in_dim3A_18 = arith.constant 0 : i32
    %broadcast_in_dim3A_19 = vector.broadcast %broadcast_in_dim3A_18 : i32 to vector<16xi32>
    %broadcast_in_dim3A_20 = arith.constant 0 : i32
    %broadcast_in_dim3A_21 = vector.broadcast %broadcast_in_dim3A_20 : i32 to vector<16xi32>
    %broadcast_in_dim3A_22 = arith.constant 0 : i32
    %broadcast_in_dim3A_23 = vector.broadcast %broadcast_in_dim3A_22 : i32 to vector<16xi32>
    %broadcast_in_dim3A_24 = arith.constant 0 : i32
    %broadcast_in_dim3A_25 = vector.broadcast %broadcast_in_dim3A_24 : i32 to vector<16xi32>
    %broadcast_in_dim3A_26 = arith.constant 0 : i32
    %broadcast_in_dim3A_27 = vector.broadcast %broadcast_in_dim3A_26 : i32 to vector<16xi32>
    %broadcast_in_dim3A_28 = arith.constant 0 : i32
    %broadcast_in_dim3A_29 = vector.broadcast %broadcast_in_dim3A_28 : i32 to vector<16xi32>
    %broadcast_in_dim3A_30 = arith.constant 0 : i32
    %broadcast_in_dim3A_31 = vector.broadcast %broadcast_in_dim3A_30 : i32 to vector<16xi32>
    %dma_start3A = arith.constant 0 : i32
    %dma_start3A_32 = tpu.memref_slice %arg2[%add3A, %dma_start3A] : memref<128x32768xf32, #tpu.memory_space<hbm>> -> memref<1x8192xf32, #tpu.memory_space<hbm>>
    %dma_start3A_33 = tpu.memref_squeeze %dma_start3A_32 : memref<1x8192xf32, #tpu.memory_space<hbm>> -> memref<8192xf32, #tpu.memory_space<hbm>>
    %dma_start3A_34 = arith.constant 0 : i32
    %dma_start3A_35 = tpu.memref_slice %arg2[%add3A, %dma_start3A_34] : memref<128x32768xf32, #tpu.memory_space<hbm>> -> memref<1x8192xf32, #tpu.memory_space<hbm>>
    %dma_start3A_36 = tpu.memref_squeeze %dma_start3A_35 : memref<1x8192xf32, #tpu.memory_space<hbm>> -> memref<8192xf32, #tpu.memory_space<hbm>>
    tpu.enqueue_dma source(%dma_start3A_36 : memref<8192xf32, #tpu.memory_space<hbm>>) target(%arg4 : memref<8192xf32, #tpu.memory_space<vmem>>) target_semaphore(%arg10 : memref<!tpu.dma_semaphore, #tpu.memory_space<semaphore_mem>>)
    %dma_start3A_37 = arith.constant 8192 : i32
    %dma_start3A_38 = tpu.memref_slice %arg2[%add3A, %dma_start3A_37] : memref<128x32768xf32, #tpu.memory_space<hbm>> -> memref<1x8192xf32, #tpu.memory_space<hbm>>
    %dma_start3A_39 = tpu.memref_squeeze %dma_start3A_38 : memref<1x8192xf32, #tpu.memory_space<hbm>> -> memref<8192xf32, #tpu.memory_space<hbm>>
    %dma_start3A_40 = arith.constant 8192 : i32
    %dma_start3A_41 = tpu.memref_slice %arg2[%add3A, %dma_start3A_40] : memref<128x32768xf32, #tpu.memory_space<hbm>> -> memref<1x8192xf32, #tpu.memory_space<hbm>>
    %dma_start3A_42 = tpu.memref_squeeze %dma_start3A_41 : memref<1x8192xf32, #tpu.memory_space<hbm>> -> memref<8192xf32, #tpu.memory_space<hbm>>
    tpu.enqueue_dma source(%dma_start3A_42 : memref<8192xf32, #tpu.memory_space<hbm>>) target(%arg5 : memref<8192xf32, #tpu.memory_space<vmem>>) target_semaphore(%arg11 : memref<!tpu.dma_semaphore, #tpu.memory_space<semaphore_mem>>)
    %dma_start3A_43 = arith.constant 16384 : i32
    %dma_start3A_44 = tpu.memref_slice %arg2[%add3A, %dma_start3A_43] : memref<128x32768xf32, #tpu.memory_space<hbm>> -> memref<1x8192xf32, #tpu.memory_space<hbm>>
    %dma_start3A_45 = tpu.memref_squeeze %dma_start3A_44 : memref<1x8192xf32, #tpu.memory_space<hbm>> -> memref<8192xf32, #tpu.memory_space<hbm>>
    %dma_start3A_46 = arith.constant 16384 : i32
    %dma_start3A_47 = tpu.memref_slice %arg2[%add3A, %dma_start3A_46] : memref<128x32768xf32, #tpu.memory_space<hbm>> -> memref<1x8192xf32, #tpu.memory_space<hbm>>
    %dma_start3A_48 = tpu.memref_squeeze %dma_start3A_47 : memref<1x8192xf32, #tpu.memory_space<hbm>> -> memref<8192xf32, #tpu.memory_space<hbm>>
    tpu.enqueue_dma source(%dma_start3A_48 : memref<8192xf32, #tpu.memory_space<hbm>>) target(%arg6 : memref<8192xf32, #tpu.memory_space<vmem>>) target_semaphore(%arg12 : memref<!tpu.dma_semaphore, #tpu.memory_space<semaphore_mem>>)
    %dma_wait3A = arith.constant 0 : i32
    %dma_wait3A_49 = tpu.memref_slice %arg2[%add3A, %dma_wait3A] : memref<128x32768xf32, #tpu.memory_space<hbm>> -> memref<1x8192xf32, #tpu.memory_space<hbm>>
    %dma_wait3A_50 = tpu.memref_squeeze %dma_wait3A_49 : memref<1x8192xf32, #tpu.memory_space<hbm>> -> memref<8192xf32, #tpu.memory_space<hbm>>
    %dma_wait3A_51 = arith.constant 0 : i32
    %dma_wait3A_52 = tpu.memref_slice %arg2[%add3A, %dma_wait3A_51] : memref<128x32768xf32, #tpu.memory_space<hbm>> -> memref<1x8192xf32, #tpu.memory_space<hbm>>
    %dma_wait3A_53 = tpu.memref_squeeze %dma_wait3A_52 : memref<1x8192xf32, #tpu.memory_space<hbm>> -> memref<8192xf32, #tpu.memory_space<hbm>>
    tpu.wait_dma2 semaphore(%arg10 : memref<!tpu.dma_semaphore, #tpu.memory_space<semaphore_mem>>) src(%dma_wait3A_53 : memref<8192xf32, #tpu.memory_space<hbm>>) dst(%arg4 : memref<8192xf32, #tpu.memory_space<vmem>>)
    %parallel_loop3A = arith.constant 0 : i32
    %parallel_loop3A_54 = arith.constant 8192 : i32
    %parallel_loop3A_55 = arith.constant 128 : i32
    %parallel_loop3A_56:16 = scf.for %parallel_loop3A_233 = %parallel_loop3A to %parallel_loop3A_54 step %parallel_loop3A_55 iter_args(%parallel_loop3A_234 = %broadcast_in_dim3A_1, %parallel_loop3A_235 = %broadcast_in_dim3A_3, %parallel_loop3A_236 = %broadcast_in_dim3A_5, %parallel_loop3A_237 = %broadcast_in_dim3A_7, %parallel_loop3A_238 = %broadcast_in_dim3A_9, %parallel_loop3A_239 = %broadcast_in_dim3A_11, %parallel_loop3A_240 = %broadcast_in_dim3A_13, %parallel_loop3A_241 = %broadcast_in_dim3A_15, %parallel_loop3A_242 = %broadcast_in_dim3A_17, %parallel_loop3A_243 = %broadcast_in_dim3A_19, %parallel_loop3A_244 = %broadcast_in_dim3A_21, %parallel_loop3A_245 = %broadcast_in_dim3A_23, %parallel_loop3A_246 = %broadcast_in_dim3A_25, %parallel_loop3A_247 = %broadcast_in_dim3A_27, %parallel_loop3A_248 = %broadcast_in_dim3A_29, %parallel_loop3A_249 = %broadcast_in_dim3A_31) -> (vector<16xf32>, vector<16xf32>, vector<16xf32>, vector<16xf32>, vector<16xf32>, vector<16xf32>, vector<16xf32>, vector<16xf32>, vector<16xi32>, vector<16xi32>, vector<16xi32>, vector<16xi32>, vector<16xi32>, vector<16xi32>, vector<16xi32>, vector<16xi32>)  : i32 {
      %parallel_loop3A_250 = arith.constant 0 : i32
      %parallel_loop3A_251 = arith.addi %parallel_loop3A_233, %parallel_loop3A_250 : i32
      %parallel_loop3A_252 = vector.broadcast %parallel_loop3A_251 : i32 to vector<16xi32>
      %parallel_loop3A_253 = arith.constant 0 : i32
      %parallel_loop3A_254 = arith.addi %parallel_loop3A_233, %parallel_loop3A_253 : i32
      %parallel_loop3A_255 = arith.index_cast %parallel_loop3A_254 : i32 to index
      %parallel_loop3A_256 = tpu.vector_load %arg4[%parallel_loop3A_255] {strides = array<i32>} : memref<8192xf32, #tpu.memory_space<vmem>>, vector<16xf32>,
      %parallel_loop3A_257 = vector.shape_cast %parallel_loop3A_256 : vector<16xf32> to vector<16xf32>
      %parallel_loop3A_258 = arith.cmpf olt, %parallel_loop3A_257, %parallel_loop3A_234 : vector<16xf32>
      %parallel_loop3A_259 = arith.minimumf %parallel_loop3A_257, %parallel_loop3A_234 : vector<16xf32>
      %parallel_loop3A_260 = arith.select %parallel_loop3A_258, %parallel_loop3A_252, %parallel_loop3A_242 : vector<16xi1>, vector<16xi32>
      %parallel_loop3A_261 = arith.constant 16 : i32
      %parallel_loop3A_262 = arith.addi %parallel_loop3A_233, %parallel_loop3A_261 : i32
      %parallel_loop3A_263 = arith.index_cast %parallel_loop3A_262 : i32 to index
      %parallel_loop3A_264 = tpu.vector_load %arg4[%parallel_loop3A_263] {strides = array<i32>} : memref<8192xf32, #tpu.memory_space<vmem>>, vector<16xf32>,
      %parallel_loop3A_265 = vector.shape_cast %parallel_loop3A_264 : vector<16xf32> to vector<16xf32>
      %parallel_loop3A_266 = arith.cmpf olt, %parallel_loop3A_265, %parallel_loop3A_235 : vector<16xf32>
      %parallel_loop3A_267 = arith.minimumf %parallel_loop3A_265, %parallel_loop3A_235 : vector<16xf32>
      %parallel_loop3A_268 = arith.select %parallel_loop3A_266, %parallel_loop3A_252, %parallel_loop3A_243 : vector<16xi1>, vector<16xi32>
      %parallel_loop3A_269 = arith.constant 32 : i32
      %parallel_loop3A_270 = arith.addi %parallel_loop3A_233, %parallel_loop3A_269 : i32
      %parallel_loop3A_271 = arith.index_cast %parallel_loop3A_270 : i32 to index
      %parallel_loop3A_272 = tpu.vector_load %arg4[%parallel_loop3A_271] {strides = array<i32>} : memref<8192xf32, #tpu.memory_space<vmem>>, vector<16xf32>,
      %parallel_loop3A_273 = vector.shape_cast %parallel_loop3A_272 : vector<16xf32> to vector<16xf32>
      %parallel_loop3A_274 = arith.cmpf olt, %parallel_loop3A_273, %parallel_loop3A_236 : vector<16xf32>
      %parallel_loop3A_275 = arith.minimumf %parallel_loop3A_273, %parallel_loop3A_236 : vector<16xf32>
      %parallel_loop3A_276 = arith.select %parallel_loop3A_274, %parallel_loop3A_252, %parallel_loop3A_244 : vector<16xi1>, vector<16xi32>
      %parallel_loop3A_277 = arith.constant 48 : i32
      %parallel_loop3A_278 = arith.addi %parallel_loop3A_233, %parallel_loop3A_277 : i32
      %parallel_loop3A_279 = arith.index_cast %parallel_loop3A_278 : i32 to index
      %parallel_loop3A_280 = tpu.vector_load %arg4[%parallel_loop3A_279] {strides = array<i32>} : memref<8192xf32, #tpu.memory_space<vmem>>, vector<16xf32>,
      %parallel_loop3A_281 = vector.shape_cast %parallel_loop3A_280 : vector<16xf32> to vector<16xf32>
      %parallel_loop3A_282 = arith.cmpf olt, %parallel_loop3A_281, %parallel_loop3A_237 : vector<16xf32>
      %parallel_loop3A_283 = arith.minimumf %parallel_loop3A_281, %parallel_loop3A_237 : vector<16xf32>
      %parallel_loop3A_284 = arith.select %parallel_loop3A_282, %parallel_loop3A_252, %parallel_loop3A_245 : vector<16xi1>, vector<16xi32>
      %parallel_loop3A_285 = arith.constant 64 : i32
      %parallel_loop3A_286 = arith.addi %parallel_loop3A_233, %parallel_loop3A_285 : i32
      %parallel_loop3A_287 = arith.index_cast %parallel_loop3A_286 : i32 to index
      %parallel_loop3A_288 = tpu.vector_load %arg4[%parallel_loop3A_287] {strides = array<i32>} : memref<8192xf32, #tpu.memory_space<vmem>>, vector<16xf32>,
      %parallel_loop3A_289 = vector.shape_cast %parallel_loop3A_288 : vector<16xf32> to vector<16xf32>
      %parallel_loop3A_290 = arith.cmpf olt, %parallel_loop3A_289, %parallel_loop3A_238 : vector<16xf32>
      %parallel_loop3A_291 = arith.minimumf %parallel_loop3A_289, %parallel_loop3A_238 : vector<16xf32>
      %parallel_loop3A_292 = arith.select %parallel_loop3A_290, %parallel_loop3A_252, %parallel_loop3A_246 : vector<16xi1>, vector<16xi32>
      %parallel_loop3A_293 = arith.constant 80 : i32
      %parallel_loop3A_294 = arith.addi %parallel_loop3A_233, %parallel_loop3A_293 : i32
      %parallel_loop3A_295 = arith.index_cast %parallel_loop3A_294 : i32 to index
      %parallel_loop3A_296 = tpu.vector_load %arg4[%parallel_loop3A_295] {strides = array<i32>} : memref<8192xf32, #tpu.memory_space<vmem>>, vector<16xf32>,
      %parallel_loop3A_297 = vector.shape_cast %parallel_loop3A_296 : vector<16xf32> to vector<16xf32>
      %parallel_loop3A_298 = arith.cmpf olt, %parallel_loop3A_297, %parallel_loop3A_239 : vector<16xf32>
      %parallel_loop3A_299 = arith.minimumf %parallel_loop3A_297, %parallel_loop3A_239 : vector<16xf32>
      %parallel_loop3A_300 = arith.select %parallel_loop3A_298, %parallel_loop3A_252, %parallel_loop3A_247 : vector<16xi1>, vector<16xi32>
      %parallel_loop3A_301 = arith.constant 96 : i32
      %parallel_loop3A_302 = arith.addi %parallel_loop3A_233, %parallel_loop3A_301 : i32
      %parallel_loop3A_303 = arith.index_cast %parallel_loop3A_302 : i32 to index
      %parallel_loop3A_304 = tpu.vector_load %arg4[%parallel_loop3A_303] {strides = array<i32>} : memref<8192xf32, #tpu.memory_space<vmem>>, vector<16xf32>,
      %parallel_loop3A_305 = vector.shape_cast %parallel_loop3A_304 : vector<16xf32> to vector<16xf32>
      %parallel_loop3A_306 = arith.cmpf olt, %parallel_loop3A_305, %parallel_loop3A_240 : vector<16xf32>
      %parallel_loop3A_307 = arith.minimumf %parallel_loop3A_305, %parallel_loop3A_240 : vector<16xf32>
      %parallel_loop3A_308 = arith.select %parallel_loop3A_306, %parallel_loop3A_252, %parallel_loop3A_248 : vector<16xi1>, vector<16xi32>
      %parallel_loop3A_309 = arith.constant 112 : i32
      %parallel_loop3A_310 = arith.addi %parallel_loop3A_233, %parallel_loop3A_309 : i32
      %parallel_loop3A_311 = arith.index_cast %parallel_loop3A_310 : i32 to index
      %parallel_loop3A_312 = tpu.vector_load %arg4[%parallel_loop3A_311] {strides = array<i32>} : memref<8192xf32, #tpu.memory_space<vmem>>, vector<16xf32>,
      %parallel_loop3A_313 = vector.shape_cast %parallel_loop3A_312 : vector<16xf32> to vector<16xf32>
      %parallel_loop3A_314 = arith.cmpf olt, %parallel_loop3A_313, %parallel_loop3A_241 : vector<16xf32>
      %parallel_loop3A_315 = arith.minimumf %parallel_loop3A_313, %parallel_loop3A_241 : vector<16xf32>
      %parallel_loop3A_316 = arith.select %parallel_loop3A_314, %parallel_loop3A_252, %parallel_loop3A_249 : vector<16xi1>, vector<16xi32>
      scf.yield %parallel_loop3A_259, %parallel_loop3A_267, %parallel_loop3A_275, %parallel_loop3A_283, %parallel_loop3A_291, %parallel_loop3A_299, %parallel_loop3A_307, %parallel_loop3A_315, %parallel_loop3A_260, %parallel_loop3A_268, %parallel_loop3A_276, %parallel_loop3A_284, %parallel_loop3A_292, %parallel_loop3A_300, %parallel_loop3A_308, %parallel_loop3A_316 : vector<16xf32>, vector<16xf32>, vector<16xf32>, vector<16xf32>, vector<16xf32>, vector<16xf32>, vector<16xf32>, vector<16xf32>, vector<16xi32>, vector<16xi32>, vector<16xi32>, vector<16xi32>, vector<16xi32>, vector<16xi32>, vector<16xi32>, vector<16xi32>
    } {sc.loop_unroll_factor = 2 : i64, sc.parallel_access}
    %dma_start3A_57 = arith.constant 24576 : i32
    %dma_start3A_58 = tpu.memref_slice %arg2[%add3A, %dma_start3A_57] : memref<128x32768xf32, #tpu.memory_space<hbm>> -> memref<1x8192xf32, #tpu.memory_space<hbm>>
    %dma_start3A_59 = tpu.memref_squeeze %dma_start3A_58 : memref<1x8192xf32, #tpu.memory_space<hbm>> -> memref<8192xf32, #tpu.memory_space<hbm>>
    %dma_start3A_60 = arith.constant 24576 : i32
    %dma_start3A_61 = tpu.memref_slice %arg2[%add3A, %dma_start3A_60] : memref<128x32768xf32, #tpu.memory_space<hbm>> -> memref<1x8192xf32, #tpu.memory_space<hbm>>
    %dma_start3A_62 = tpu.memref_squeeze %dma_start3A_61 : memref<1x8192xf32, #tpu.memory_space<hbm>> -> memref<8192xf32, #tpu.memory_space<hbm>>
    tpu.enqueue_dma source(%dma_start3A_62 : memref<8192xf32, #tpu.memory_space<hbm>>) target(%arg4 : memref<8192xf32, #tpu.memory_space<vmem>>) target_semaphore(%arg10 : memref<!tpu.dma_semaphore, #tpu.memory_space<semaphore_mem>>)
    %dma_wait3A_63 = arith.constant 8192 : i32
    %dma_wait3A_64 = tpu.memref_slice %arg2[%add3A, %dma_wait3A_63] : memref<128x32768xf32, #tpu.memory_space<hbm>> -> memref<1x8192xf32, #tpu.memory_space<hbm>>
    %dma_wait3A_65 = tpu.memref_squeeze %dma_wait3A_64 : memref<1x8192xf32, #tpu.memory_space<hbm>> -> memref<8192xf32, #tpu.memory_space<hbm>>
    %dma_wait3A_66 = arith.constant 8192 : i32
    %dma_wait3A_67 = tpu.memref_slice %arg2[%add3A, %dma_wait3A_66] : memref<128x32768xf32, #tpu.memory_space<hbm>> -> memref<1x8192xf32, #tpu.memory_space<hbm>>
    %dma_wait3A_68 = tpu.memref_squeeze %dma_wait3A_67 : memref<1x8192xf32, #tpu.memory_space<hbm>> -> memref<8192xf32, #tpu.memory_space<hbm>>
    tpu.wait_dma2 semaphore(%arg11 : memref<!tpu.dma_semaphore, #tpu.memory_space<semaphore_mem>>) src(%dma_wait3A_68 : memref<8192xf32, #tpu.memory_space<hbm>>) dst(%arg5 : memref<8192xf32, #tpu.memory_space<vmem>>)
    %parallel_loop3A_69 = arith.constant 0 : i32
    %parallel_loop3A_70 = arith.constant 8192 : i32
    %parallel_loop3A_71 = arith.constant 128 : i32
    %parallel_loop3A_72:16 = scf.for %parallel_loop3A_233 = %parallel_loop3A_69 to %parallel_loop3A_70 step %parallel_loop3A_71 iter_args(%parallel_loop3A_234 = %parallel_loop3A_56#0, %parallel_loop3A_235 = %parallel_loop3A_56#1, %parallel_loop3A_236 = %parallel_loop3A_56#2, %parallel_loop3A_237 = %parallel_loop3A_56#3, %parallel_loop3A_238 = %parallel_loop3A_56#4, %parallel_loop3A_239 = %parallel_loop3A_56#5, %parallel_loop3A_240 = %parallel_loop3A_56#6, %parallel_loop3A_241 = %parallel_loop3A_56#7, %parallel_loop3A_242 = %parallel_loop3A_56#8, %parallel_loop3A_243 = %parallel_loop3A_56#9, %parallel_loop3A_244 = %parallel_loop3A_56#10, %parallel_loop3A_245 = %parallel_loop3A_56#11, %parallel_loop3A_246 = %parallel_loop3A_56#12, %parallel_loop3A_247 = %parallel_loop3A_56#13, %parallel_loop3A_248 = %parallel_loop3A_56#14, %parallel_loop3A_249 = %parallel_loop3A_56#15) -> (vector<16xf32>, vector<16xf32>, vector<16xf32>, vector<16xf32>, vector<16xf32>, vector<16xf32>, vector<16xf32>, vector<16xf32>, vector<16xi32>, vector<16xi32>, vector<16xi32>, vector<16xi32>, vector<16xi32>, vector<16xi32>, vector<16xi32>, vector<16xi32>)  : i32 {
      %parallel_loop3A_250 = arith.constant 8192 : i32
      %parallel_loop3A_251 = arith.addi %parallel_loop3A_233, %parallel_loop3A_250 : i32
      %parallel_loop3A_252 = vector.broadcast %parallel_loop3A_251 : i32 to vector<16xi32>
      %parallel_loop3A_253 = arith.constant 0 : i32
      %parallel_loop3A_254 = arith.addi %parallel_loop3A_233, %parallel_loop3A_253 : i32
      %parallel_loop3A_255 = arith.index_cast %parallel_loop3A_254 : i32 to index
      %parallel_loop3A_256 = tpu.vector_load %arg5[%parallel_loop3A_255] {strides = array<i32>} : memref<8192xf32, #tpu.memory_space<vmem>>, vector<16xf32>,
      %parallel_loop3A_257 = vector.shape_cast %parallel_loop3A_256 : vector<16xf32> to vector<16xf32>
      %parallel_loop3A_258 = arith.cmpf olt, %parallel_loop3A_257, %parallel_loop3A_234 : vector<16xf32>
      %parallel_loop3A_259 = arith.minimumf %parallel_loop3A_257, %parallel_loop3A_234 : vector<16xf32>
      %parallel_loop3A_260 = arith.select %parallel_loop3A_258, %parallel_loop3A_252, %parallel_loop3A_242 : vector<16xi1>, vector<16xi32>
      %parallel_loop3A_261 = arith.constant 16 : i32
      %parallel_loop3A_262 = arith.addi %parallel_loop3A_233, %parallel_loop3A_261 : i32
      %parallel_loop3A_263 = arith.index_cast %parallel_loop3A_262 : i32 to index
      %parallel_loop3A_264 = tpu.vector_load %arg5[%parallel_loop3A_263] {strides = array<i32>} : memref<8192xf32, #tpu.memory_space<vmem>>, vector<16xf32>,
      %parallel_loop3A_265 = vector.shape_cast %parallel_loop3A_264 : vector<16xf32> to vector<16xf32>
      %parallel_loop3A_266 = arith.cmpf olt, %parallel_loop3A_265, %parallel_loop3A_235 : vector<16xf32>
      %parallel_loop3A_267 = arith.minimumf %parallel_loop3A_265, %parallel_loop3A_235 : vector<16xf32>
      %parallel_loop3A_268 = arith.select %parallel_loop3A_266, %parallel_loop3A_252, %parallel_loop3A_243 : vector<16xi1>, vector<16xi32>
      %parallel_loop3A_269 = arith.constant 32 : i32
      %parallel_loop3A_270 = arith.addi %parallel_loop3A_233, %parallel_loop3A_269 : i32
      %parallel_loop3A_271 = arith.index_cast %parallel_loop3A_270 : i32 to index
      %parallel_loop3A_272 = tpu.vector_load %arg5[%parallel_loop3A_271] {strides = array<i32>} : memref<8192xf32, #tpu.memory_space<vmem>>, vector<16xf32>,
      %parallel_loop3A_273 = vector.shape_cast %parallel_loop3A_272 : vector<16xf32> to vector<16xf32>
      %parallel_loop3A_274 = arith.cmpf olt, %parallel_loop3A_273, %parallel_loop3A_236 : vector<16xf32>
      %parallel_loop3A_275 = arith.minimumf %parallel_loop3A_273, %parallel_loop3A_236 : vector<16xf32>
      %parallel_loop3A_276 = arith.select %parallel_loop3A_274, %parallel_loop3A_252, %parallel_loop3A_244 : vector<16xi1>, vector<16xi32>
      %parallel_loop3A_277 = arith.constant 48 : i32
      %parallel_loop3A_278 = arith.addi %parallel_loop3A_233, %parallel_loop3A_277 : i32
      %parallel_loop3A_279 = arith.index_cast %parallel_loop3A_278 : i32 to index
      %parallel_loop3A_280 = tpu.vector_load %arg5[%parallel_loop3A_279] {strides = array<i32>} : memref<8192xf32, #tpu.memory_space<vmem>>, vector<16xf32>,
      %parallel_loop3A_281 = vector.shape_cast %parallel_loop3A_280 : vector<16xf32> to vector<16xf32>
      %parallel_loop3A_282 = arith.cmpf olt, %parallel_loop3A_281, %parallel_loop3A_237 : vector<16xf32>
      %parallel_loop3A_283 = arith.minimumf %parallel_loop3A_281, %parallel_loop3A_237 : vector<16xf32>
      %parallel_loop3A_284 = arith.select %parallel_loop3A_282, %parallel_loop3A_252, %parallel_loop3A_245 : vector<16xi1>, vector<16xi32>
      %parallel_loop3A_285 = arith.constant 64 : i32
      %parallel_loop3A_286 = arith.addi %parallel_loop3A_233, %parallel_loop3A_285 : i32
      %parallel_loop3A_287 = arith.index_cast %parallel_loop3A_286 : i32 to index
      %parallel_loop3A_288 = tpu.vector_load %arg5[%parallel_loop3A_287] {strides = array<i32>} : memref<8192xf32, #tpu.memory_space<vmem>>, vector<16xf32>,
      %parallel_loop3A_289 = vector.shape_cast %parallel_loop3A_288 : vector<16xf32> to vector<16xf32>
      %parallel_loop3A_290 = arith.cmpf olt, %parallel_loop3A_289, %parallel_loop3A_238 : vector<16xf32>
      %parallel_loop3A_291 = arith.minimumf %parallel_loop3A_289, %parallel_loop3A_238 : vector<16xf32>
      %parallel_loop3A_292 = arith.select %parallel_loop3A_290, %parallel_loop3A_252, %parallel_loop3A_246 : vector<16xi1>, vector<16xi32>
      %parallel_loop3A_293 = arith.constant 80 : i32
      %parallel_loop3A_294 = arith.addi %parallel_loop3A_233, %parallel_loop3A_293 : i32
      %parallel_loop3A_295 = arith.index_cast %parallel_loop3A_294 : i32 to index
      %parallel_loop3A_296 = tpu.vector_load %arg5[%parallel_loop3A_295] {strides = array<i32>} : memref<8192xf32, #tpu.memory_space<vmem>>, vector<16xf32>,
      %parallel_loop3A_297 = vector.shape_cast %parallel_loop3A_296 : vector<16xf32> to vector<16xf32>
      %parallel_loop3A_298 = arith.cmpf olt, %parallel_loop3A_297, %parallel_loop3A_239 : vector<16xf32>
      %parallel_loop3A_299 = arith.minimumf %parallel_loop3A_297, %parallel_loop3A_239 : vector<16xf32>
      %parallel_loop3A_300 = arith.select %parallel_loop3A_298, %parallel_loop3A_252, %parallel_loop3A_247 : vector<16xi1>, vector<16xi32>
      %parallel_loop3A_301 = arith.constant 96 : i32
      %parallel_loop3A_302 = arith.addi %parallel_loop3A_233, %parallel_loop3A_301 : i32
      %parallel_loop3A_303 = arith.index_cast %parallel_loop3A_302 : i32 to index
      %parallel_loop3A_304 = tpu.vector_load %arg5[%parallel_loop3A_303] {strides = array<i32>} : memref<8192xf32, #tpu.memory_space<vmem>>, vector<16xf32>,
      %parallel_loop3A_305 = vector.shape_cast %parallel_loop3A_304 : vector<16xf32> to vector<16xf32>
      %parallel_loop3A_306 = arith.cmpf olt, %parallel_loop3A_305, %parallel_loop3A_240 : vector<16xf32>
      %parallel_loop3A_307 = arith.minimumf %parallel_loop3A_305, %parallel_loop3A_240 : vector<16xf32>
      %parallel_loop3A_308 = arith.select %parallel_loop3A_306, %parallel_loop3A_252, %parallel_loop3A_248 : vector<16xi1>, vector<16xi32>
      %parallel_loop3A_309 = arith.constant 112 : i32
      %parallel_loop3A_310 = arith.addi %parallel_loop3A_233, %parallel_loop3A_309 : i32
      %parallel_loop3A_311 = arith.index_cast %parallel_loop3A_310 : i32 to index
      %parallel_loop3A_312 = tpu.vector_load %arg5[%parallel_loop3A_311] {strides = array<i32>} : memref<8192xf32, #tpu.memory_space<vmem>>, vector<16xf32>,
      %parallel_loop3A_313 = vector.shape_cast %parallel_loop3A_312 : vector<16xf32> to vector<16xf32>
      %parallel_loop3A_314 = arith.cmpf olt, %parallel_loop3A_313, %parallel_loop3A_241 : vector<16xf32>
      %parallel_loop3A_315 = arith.minimumf %parallel_loop3A_313, %parallel_loop3A_241 : vector<16xf32>
      %parallel_loop3A_316 = arith.select %parallel_loop3A_314, %parallel_loop3A_252, %parallel_loop3A_249 : vector<16xi1>, vector<16xi32>
      scf.yield %parallel_loop3A_259, %parallel_loop3A_267, %parallel_loop3A_275, %parallel_loop3A_283, %parallel_loop3A_291, %parallel_loop3A_299, %parallel_loop3A_307, %parallel_loop3A_315, %parallel_loop3A_260, %parallel_loop3A_268, %parallel_loop3A_276, %parallel_loop3A_284, %parallel_loop3A_292, %parallel_loop3A_300, %parallel_loop3A_308, %parallel_loop3A_316 : vector<16xf32>, vector<16xf32>, vector<16xf32>, vector<16xf32>, vector<16xf32>, vector<16xf32>, vector<16xf32>, vector<16xf32>, vector<16xi32>, vector<16xi32>, vector<16xi32>, vector<16xi32>, vector<16xi32>, vector<16xi32>, vector<16xi32>, vector<16xi32>
    } {sc.loop_unroll_factor = 2 : i64, sc.parallel_access}
    %dma_wait3A_73 = arith.constant 16384 : i32
    %dma_wait3A_74 = tpu.memref_slice %arg2[%add3A, %dma_wait3A_73] : memref<128x32768xf32, #tpu.memory_space<hbm>> -> memref<1x8192xf32, #tpu.memory_space<hbm>>
    %dma_wait3A_75 = tpu.memref_squeeze %dma_wait3A_74 : memref<1x8192xf32, #tpu.memory_space<hbm>> -> memref<8192xf32, #tpu.memory_space<hbm>>
    %dma_wait3A_76 = arith.constant 16384 : i32
    %dma_wait3A_77 = tpu.memref_slice %arg2[%add3A, %dma_wait3A_76] : memref<128x32768xf32, #tpu.memory_space<hbm>> -> memref<1x8192xf32, #tpu.memory_space<hbm>>
    %dma_wait3A_78 = tpu.memref_squeeze %dma_wait3A_77 : memref<1x8192xf32, #tpu.memory_space<hbm>> -> memref<8192xf32, #tpu.memory_space<hbm>>
    tpu.wait_dma2 semaphore(%arg12 : memref<!tpu.dma_semaphore, #tpu.memory_space<semaphore_mem>>) src(%dma_wait3A_78 : memref<8192xf32, #tpu.memory_space<hbm>>) dst(%arg6 : memref<8192xf32, #tpu.memory_space<vmem>>)
    %parallel_loop3A_79 = arith.constant 0 : i32
    %parallel_loop3A_80 = arith.constant 8192 : i32
    %parallel_loop3A_81 = arith.constant 128 : i32
    %parallel_loop3A_82:16 = scf.for %parallel_loop3A_233 = %parallel_loop3A_79 to %parallel_loop3A_80 step %parallel_loop3A_81 iter_args(%parallel_loop3A_234 = %parallel_loop3A_72#0, %parallel_loop3A_235 = %parallel_loop3A_72#1, %parallel_loop3A_236 = %parallel_loop3A_72#2, %parallel_loop3A_237 = %parallel_loop3A_72#3, %parallel_loop3A_238 = %parallel_loop3A_72#4, %parallel_loop3A_239 = %parallel_loop3A_72#5, %parallel_loop3A_240 = %parallel_loop3A_72#6, %parallel_loop3A_241 = %parallel_loop3A_72#7, %parallel_loop3A_242 = %parallel_loop3A_72#8, %parallel_loop3A_243 = %parallel_loop3A_72#9, %parallel_loop3A_244 = %parallel_loop3A_72#10, %parallel_loop3A_245 = %parallel_loop3A_72#11, %parallel_loop3A_246 = %parallel_loop3A_72#12, %parallel_loop3A_247 = %parallel_loop3A_72#13, %parallel_loop3A_248 = %parallel_loop3A_72#14, %parallel_loop3A_249 = %parallel_loop3A_72#15) -> (vector<16xf32>, vector<16xf32>, vector<16xf32>, vector<16xf32>, vector<16xf32>, vector<16xf32>, vector<16xf32>, vector<16xf32>, vector<16xi32>, vector<16xi32>, vector<16xi32>, vector<16xi32>, vector<16xi32>, vector<16xi32>, vector<16xi32>, vector<16xi32>)  : i32 {
      %parallel_loop3A_250 = arith.constant 16384 : i32
      %parallel_loop3A_251 = arith.addi %parallel_loop3A_233, %parallel_loop3A_250 : i32
      %parallel_loop3A_252 = vector.broadcast %parallel_loop3A_251 : i32 to vector<16xi32>
      %parallel_loop3A_253 = arith.constant 0 : i32
      %parallel_loop3A_254 = arith.addi %parallel_loop3A_233, %parallel_loop3A_253 : i32
      %parallel_loop3A_255 = arith.index_cast %parallel_loop3A_254 : i32 to index
      %parallel_loop3A_256 = tpu.vector_load %arg6[%parallel_loop3A_255] {strides = array<i32>} : memref<8192xf32, #tpu.memory_space<vmem>>, vector<16xf32>,
      %parallel_loop3A_257 = vector.shape_cast %parallel_loop3A_256 : vector<16xf32> to vector<16xf32>
      %parallel_loop3A_258 = arith.cmpf olt, %parallel_loop3A_257, %parallel_loop3A_234 : vector<16xf32>
      %parallel_loop3A_259 = arith.minimumf %parallel_loop3A_257, %parallel_loop3A_234 : vector<16xf32>
      %parallel_loop3A_260 = arith.select %parallel_loop3A_258, %parallel_loop3A_252, %parallel_loop3A_242 : vector<16xi1>, vector<16xi32>
      %parallel_loop3A_261 = arith.constant 16 : i32
      %parallel_loop3A_262 = arith.addi %parallel_loop3A_233, %parallel_loop3A_261 : i32
      %parallel_loop3A_263 = arith.index_cast %parallel_loop3A_262 : i32 to index
      %parallel_loop3A_264 = tpu.vector_load %arg6[%parallel_loop3A_263] {strides = array<i32>} : memref<8192xf32, #tpu.memory_space<vmem>>, vector<16xf32>,
      %parallel_loop3A_265 = vector.shape_cast %parallel_loop3A_264 : vector<16xf32> to vector<16xf32>
      %parallel_loop3A_266 = arith.cmpf olt, %parallel_loop3A_265, %parallel_loop3A_235 : vector<16xf32>
      %parallel_loop3A_267 = arith.minimumf %parallel_loop3A_265, %parallel_loop3A_235 : vector<16xf32>
      %parallel_loop3A_268 = arith.select %parallel_loop3A_266, %parallel_loop3A_252, %parallel_loop3A_243 : vector<16xi1>, vector<16xi32>
      %parallel_loop3A_269 = arith.constant 32 : i32
      %parallel_loop3A_270 = arith.addi %parallel_loop3A_233, %parallel_loop3A_269 : i32
      %parallel_loop3A_271 = arith.index_cast %parallel_loop3A_270 : i32 to index
      %parallel_loop3A_272 = tpu.vector_load %arg6[%parallel_loop3A_271] {strides = array<i32>} : memref<8192xf32, #tpu.memory_space<vmem>>, vector<16xf32>,
      %parallel_loop3A_273 = vector.shape_cast %parallel_loop3A_272 : vector<16xf32> to vector<16xf32>
      %parallel_loop3A_274 = arith.cmpf olt, %parallel_loop3A_273, %parallel_loop3A_236 : vector<16xf32>
      %parallel_loop3A_275 = arith.minimumf %parallel_loop3A_273, %parallel_loop3A_236 : vector<16xf32>
      %parallel_loop3A_276 = arith.select %parallel_loop3A_274, %parallel_loop3A_252, %parallel_loop3A_244 : vector<16xi1>, vector<16xi32>
      %parallel_loop3A_277 = arith.constant 48 : i32
      %parallel_loop3A_278 = arith.addi %parallel_loop3A_233, %parallel_loop3A_277 : i32
      %parallel_loop3A_279 = arith.index_cast %parallel_loop3A_278 : i32 to index
      %parallel_loop3A_280 = tpu.vector_load %arg6[%parallel_loop3A_279] {strides = array<i32>} : memref<8192xf32, #tpu.memory_space<vmem>>, vector<16xf32>,
      %parallel_loop3A_281 = vector.shape_cast %parallel_loop3A_280 : vector<16xf32> to vector<16xf32>
      %parallel_loop3A_282 = arith.cmpf olt, %parallel_loop3A_281, %parallel_loop3A_237 : vector<16xf32>
      %parallel_loop3A_283 = arith.minimumf %parallel_loop3A_281, %parallel_loop3A_237 : vector<16xf32>
      %parallel_loop3A_284 = arith.select %parallel_loop3A_282, %parallel_loop3A_252, %parallel_loop3A_245 : vector<16xi1>, vector<16xi32>
      %parallel_loop3A_285 = arith.constant 64 : i32
      %parallel_loop3A_286 = arith.addi %parallel_loop3A_233, %parallel_loop3A_285 : i32
      %parallel_loop3A_287 = arith.index_cast %parallel_loop3A_286 : i32 to index
      %parallel_loop3A_288 = tpu.vector_load %arg6[%parallel_loop3A_287] {strides = array<i32>} : memref<8192xf32, #tpu.memory_space<vmem>>, vector<16xf32>,
      %parallel_loop3A_289 = vector.shape_cast %parallel_loop3A_288 : vector<16xf32> to vector<16xf32>
      %parallel_loop3A_290 = arith.cmpf olt, %parallel_loop3A_289, %parallel_loop3A_238 : vector<16xf32>
      %parallel_loop3A_291 = arith.minimumf %parallel_loop3A_289, %parallel_loop3A_238 : vector<16xf32>
      %parallel_loop3A_292 = arith.select %parallel_loop3A_290, %parallel_loop3A_252, %parallel_loop3A_246 : vector<16xi1>, vector<16xi32>
      %parallel_loop3A_293 = arith.constant 80 : i32
      %parallel_loop3A_294 = arith.addi %parallel_loop3A_233, %parallel_loop3A_293 : i32
      %parallel_loop3A_295 = arith.index_cast %parallel_loop3A_294 : i32 to index
      %parallel_loop3A_296 = tpu.vector_load %arg6[%parallel_loop3A_295] {strides = array<i32>} : memref<8192xf32, #tpu.memory_space<vmem>>, vector<16xf32>,
      %parallel_loop3A_297 = vector.shape_cast %parallel_loop3A_296 : vector<16xf32> to vector<16xf32>
      %parallel_loop3A_298 = arith.cmpf olt, %parallel_loop3A_297, %parallel_loop3A_239 : vector<16xf32>
      %parallel_loop3A_299 = arith.minimumf %parallel_loop3A_297, %parallel_loop3A_239 : vector<16xf32>
      %parallel_loop3A_300 = arith.select %parallel_loop3A_298, %parallel_loop3A_252, %parallel_loop3A_247 : vector<16xi1>, vector<16xi32>
      %parallel_loop3A_301 = arith.constant 96 : i32
      %parallel_loop3A_302 = arith.addi %parallel_loop3A_233, %parallel_loop3A_301 : i32
      %parallel_loop3A_303 = arith.index_cast %parallel_loop3A_302 : i32 to index
      %parallel_loop3A_304 = tpu.vector_load %arg6[%parallel_loop3A_303] {strides = array<i32>} : memref<8192xf32, #tpu.memory_space<vmem>>, vector<16xf32>,
      %parallel_loop3A_305 = vector.shape_cast %parallel_loop3A_304 : vector<16xf32> to vector<16xf32>
      %parallel_loop3A_306 = arith.cmpf olt, %parallel_loop3A_305, %parallel_loop3A_240 : vector<16xf32>
      %parallel_loop3A_307 = arith.minimumf %parallel_loop3A_305, %parallel_loop3A_240 : vector<16xf32>
      %parallel_loop3A_308 = arith.select %parallel_loop3A_306, %parallel_loop3A_252, %parallel_loop3A_248 : vector<16xi1>, vector<16xi32>
      %parallel_loop3A_309 = arith.constant 112 : i32
      %parallel_loop3A_310 = arith.addi %parallel_loop3A_233, %parallel_loop3A_309 : i32
      %parallel_loop3A_311 = arith.index_cast %parallel_loop3A_310 : i32 to index
      %parallel_loop3A_312 = tpu.vector_load %arg6[%parallel_loop3A_311] {strides = array<i32>} : memref<8192xf32, #tpu.memory_space<vmem>>, vector<16xf32>,
      %parallel_loop3A_313 = vector.shape_cast %parallel_loop3A_312 : vector<16xf32> to vector<16xf32>
      %parallel_loop3A_314 = arith.cmpf olt, %parallel_loop3A_313, %parallel_loop3A_241 : vector<16xf32>
      %parallel_loop3A_315 = arith.minimumf %parallel_loop3A_313, %parallel_loop3A_241 : vector<16xf32>
      %parallel_loop3A_316 = arith.select %parallel_loop3A_314, %parallel_loop3A_252, %parallel_loop3A_249 : vector<16xi1>, vector<16xi32>
      scf.yield %parallel_loop3A_259, %parallel_loop3A_267, %parallel_loop3A_275, %parallel_loop3A_283, %parallel_loop3A_291, %parallel_loop3A_299, %parallel_loop3A_307, %parallel_loop3A_315, %parallel_loop3A_260, %parallel_loop3A_268, %parallel_loop3A_276, %parallel_loop3A_284, %parallel_loop3A_292, %parallel_loop3A_300, %parallel_loop3A_308, %parallel_loop3A_316 : vector<16xf32>, vector<16xf32>, vector<16xf32>, vector<16xf32>, vector<16xf32>, vector<16xf32>, vector<16xf32>, vector<16xf32>, vector<16xi32>, vector<16xi32>, vector<16xi32>, vector<16xi32>, vector<16xi32>, vector<16xi32>, vector<16xi32>, vector<16xi32>
    } {sc.loop_unroll_factor = 2 : i64, sc.parallel_access}
    %dma_wait3A_83 = arith.constant 24576 : i32
    %dma_wait3A_84 = tpu.memref_slice %arg2[%add3A, %dma_wait3A_83] : memref<128x32768xf32, #tpu.memory_space<hbm>> -> memref<1x8192xf32, #tpu.memory_space<hbm>>
    %dma_wait3A_85 = tpu.memref_squeeze %dma_wait3A_84 : memref<1x8192xf32, #tpu.memory_space<hbm>> -> memref<8192xf32, #tpu.memory_space<hbm>>
    %dma_wait3A_86 = arith.constant 24576 : i32
    %dma_wait3A_87 = tpu.memref_slice %arg2[%add3A, %dma_wait3A_86] : memref<128x32768xf32, #tpu.memory_space<hbm>> -> memref<1x8192xf32, #tpu.memory_space<hbm>>
    %dma_wait3A_88 = tpu.memref_squeeze %dma_wait3A_87 : memref<1x8192xf32, #tpu.memory_space<hbm>> -> memref<8192xf32, #tpu.memory_space<hbm>>
    tpu.wait_dma2 semaphore(%arg10 : memref<!tpu.dma_semaphore, #tpu.memory_space<semaphore_mem>>) src(%dma_wait3A_88 : memref<8192xf32, #tpu.memory_space<hbm>>) dst(%arg4 : memref<8192xf32, #tpu.memory_space<vmem>>)
    %parallel_loop3A_89 = arith.constant 0 : i32
    %parallel_loop3A_90 = arith.constant 8192 : i32
    %parallel_loop3A_91 = arith.constant 128 : i32
    %parallel_loop3A_92:16 = scf.for %parallel_loop3A_233 = %parallel_loop3A_89 to %parallel_loop3A_90 step %parallel_loop3A_91 iter_args(%parallel_loop3A_234 = %parallel_loop3A_82#0, %parallel_loop3A_235 = %parallel_loop3A_82#1, %parallel_loop3A_236 = %parallel_loop3A_82#2, %parallel_loop3A_237 = %parallel_loop3A_82#3, %parallel_loop3A_238 = %parallel_loop3A_82#4, %parallel_loop3A_239 = %parallel_loop3A_82#5, %parallel_loop3A_240 = %parallel_loop3A_82#6, %parallel_loop3A_241 = %parallel_loop3A_82#7, %parallel_loop3A_242 = %parallel_loop3A_82#8, %parallel_loop3A_243 = %parallel_loop3A_82#9, %parallel_loop3A_244 = %parallel_loop3A_82#10, %parallel_loop3A_245 = %parallel_loop3A_82#11, %parallel_loop3A_246 = %parallel_loop3A_82#12, %parallel_loop3A_247 = %parallel_loop3A_82#13, %parallel_loop3A_248 = %parallel_loop3A_82#14, %parallel_loop3A_249 = %parallel_loop3A_82#15) -> (vector<16xf32>, vector<16xf32>, vector<16xf32>, vector<16xf32>, vector<16xf32>, vector<16xf32>, vector<16xf32>, vector<16xf32>, vector<16xi32>, vector<16xi32>, vector<16xi32>, vector<16xi32>, vector<16xi32>, vector<16xi32>, vector<16xi32>, vector<16xi32>)  : i32 {
      %parallel_loop3A_250 = arith.constant 24576 : i32
      %parallel_loop3A_251 = arith.addi %parallel_loop3A_233, %parallel_loop3A_250 : i32
      %parallel_loop3A_252 = vector.broadcast %parallel_loop3A_251 : i32 to vector<16xi32>
      %parallel_loop3A_253 = arith.constant 0 : i32
      %parallel_loop3A_254 = arith.addi %parallel_loop3A_233, %parallel_loop3A_253 : i32
      %parallel_loop3A_255 = arith.index_cast %parallel_loop3A_254 : i32 to index
      %parallel_loop3A_256 = tpu.vector_load %arg4[%parallel_loop3A_255] {strides = array<i32>} : memref<8192xf32, #tpu.memory_space<vmem>>, vector<16xf32>,
      %parallel_loop3A_257 = vector.shape_cast %parallel_loop3A_256 : vector<16xf32> to vector<16xf32>
      %parallel_loop3A_258 = arith.cmpf olt, %parallel_loop3A_257, %parallel_loop3A_234 : vector<16xf32>
      %parallel_loop3A_259 = arith.minimumf %parallel_loop3A_257, %parallel_loop3A_234 : vector<16xf32>
      %parallel_loop3A_260 = arith.select %parallel_loop3A_258, %parallel_loop3A_252, %parallel_loop3A_242 : vector<16xi1>, vector<16xi32>
      %parallel_loop3A_261 = arith.constant 16 : i32
      %parallel_loop3A_262 = arith.addi %parallel_loop3A_233, %parallel_loop3A_261 : i32
      %parallel_loop3A_263 = arith.index_cast %parallel_loop3A_262 : i32 to index
      %parallel_loop3A_264 = tpu.vector_load %arg4[%parallel_loop3A_263] {strides = array<i32>} : memref<8192xf32, #tpu.memory_space<vmem>>, vector<16xf32>,
      %parallel_loop3A_265 = vector.shape_cast %parallel_loop3A_264 : vector<16xf32> to vector<16xf32>
      %parallel_loop3A_266 = arith.cmpf olt, %parallel_loop3A_265, %parallel_loop3A_235 : vector<16xf32>
      %parallel_loop3A_267 = arith.minimumf %parallel_loop3A_265, %parallel_loop3A_235 : vector<16xf32>
      %parallel_loop3A_268 = arith.select %parallel_loop3A_266, %parallel_loop3A_252, %parallel_loop3A_243 : vector<16xi1>, vector<16xi32>
      %parallel_loop3A_269 = arith.constant 32 : i32
      %parallel_loop3A_270 = arith.addi %parallel_loop3A_233, %parallel_loop3A_269 : i32
      %parallel_loop3A_271 = arith.index_cast %parallel_loop3A_270 : i32 to index
      %parallel_loop3A_272 = tpu.vector_load %arg4[%parallel_loop3A_271] {strides = array<i32>} : memref<8192xf32, #tpu.memory_space<vmem>>, vector<16xf32>,
      %parallel_loop3A_273 = vector.shape_cast %parallel_loop3A_272 : vector<16xf32> to vector<16xf32>
      %parallel_loop3A_274 = arith.cmpf olt, %parallel_loop3A_273, %parallel_loop3A_236 : vector<16xf32>
      %parallel_loop3A_275 = arith.minimumf %parallel_loop3A_273, %parallel_loop3A_236 : vector<16xf32>
      %parallel_loop3A_276 = arith.select %parallel_loop3A_274, %parallel_loop3A_252, %parallel_loop3A_244 : vector<16xi1>, vector<16xi32>
      %parallel_loop3A_277 = arith.constant 48 : i32
      %parallel_loop3A_278 = arith.addi %parallel_loop3A_233, %parallel_loop3A_277 : i32
      %parallel_loop3A_279 = arith.index_cast %parallel_loop3A_278 : i32 to index
      %parallel_loop3A_280 = tpu.vector_load %arg4[%parallel_loop3A_279] {strides = array<i32>} : memref<8192xf32, #tpu.memory_space<vmem>>, vector<16xf32>,
      %parallel_loop3A_281 = vector.shape_cast %parallel_loop3A_280 : vector<16xf32> to vector<16xf32>
      %parallel_loop3A_282 = arith.cmpf olt, %parallel_loop3A_281, %parallel_loop3A_237 : vector<16xf32>
      %parallel_loop3A_283 = arith.minimumf %parallel_loop3A_281, %parallel_loop3A_237 : vector<16xf32>
      %parallel_loop3A_284 = arith.select %parallel_loop3A_282, %parallel_loop3A_252, %parallel_loop3A_245 : vector<16xi1>, vector<16xi32>
      %parallel_loop3A_285 = arith.constant 64 : i32
      %parallel_loop3A_286 = arith.addi %parallel_loop3A_233, %parallel_loop3A_285 : i32
      %parallel_loop3A_287 = arith.index_cast %parallel_loop3A_286 : i32 to index
      %parallel_loop3A_288 = tpu.vector_load %arg4[%parallel_loop3A_287] {strides = array<i32>} : memref<8192xf32, #tpu.memory_space<vmem>>, vector<16xf32>,
      %parallel_loop3A_289 = vector.shape_cast %parallel_loop3A_288 : vector<16xf32> to vector<16xf32>
      %parallel_loop3A_290 = arith.cmpf olt, %parallel_loop3A_289, %parallel_loop3A_238 : vector<16xf32>
      %parallel_loop3A_291 = arith.minimumf %parallel_loop3A_289, %parallel_loop3A_238 : vector<16xf32>
      %parallel_loop3A_292 = arith.select %parallel_loop3A_290, %parallel_loop3A_252, %parallel_loop3A_246 : vector<16xi1>, vector<16xi32>
      %parallel_loop3A_293 = arith.constant 80 : i32
      %parallel_loop3A_294 = arith.addi %parallel_loop3A_233, %parallel_loop3A_293 : i32
      %parallel_loop3A_295 = arith.index_cast %parallel_loop3A_294 : i32 to index
      %parallel_loop3A_296 = tpu.vector_load %arg4[%parallel_loop3A_295] {strides = array<i32>} : memref<8192xf32, #tpu.memory_space<vmem>>, vector<16xf32>,
      %parallel_loop3A_297 = vector.shape_cast %parallel_loop3A_296 : vector<16xf32> to vector<16xf32>
      %parallel_loop3A_298 = arith.cmpf olt, %parallel_loop3A_297, %parallel_loop3A_239 : vector<16xf32>
      %parallel_loop3A_299 = arith.minimumf %parallel_loop3A_297, %parallel_loop3A_239 : vector<16xf32>
      %parallel_loop3A_300 = arith.select %parallel_loop3A_298, %parallel_loop3A_252, %parallel_loop3A_247 : vector<16xi1>, vector<16xi32>
      %parallel_loop3A_301 = arith.constant 96 : i32
      %parallel_loop3A_302 = arith.addi %parallel_loop3A_233, %parallel_loop3A_301 : i32
      %parallel_loop3A_303 = arith.index_cast %parallel_loop3A_302 : i32 to index
      %parallel_loop3A_304 = tpu.vector_load %arg4[%parallel_loop3A_303] {strides = array<i32>} : memref<8192xf32, #tpu.memory_space<vmem>>, vector<16xf32>,
      %parallel_loop3A_305 = vector.shape_cast %parallel_loop3A_304 : vector<16xf32> to vector<16xf32>
      %parallel_loop3A_306 = arith.cmpf olt, %parallel_loop3A_305, %parallel_loop3A_240 : vector<16xf32>
      %parallel_loop3A_307 = arith.minimumf %parallel_loop3A_305, %parallel_loop3A_240 : vector<16xf32>
      %parallel_loop3A_308 = arith.select %parallel_loop3A_306, %parallel_loop3A_252, %parallel_loop3A_248 : vector<16xi1>, vector<16xi32>
      %parallel_loop3A_309 = arith.constant 112 : i32
      %parallel_loop3A_310 = arith.addi %parallel_loop3A_233, %parallel_loop3A_309 : i32
      %parallel_loop3A_311 = arith.index_cast %parallel_loop3A_310 : i32 to index
      %parallel_loop3A_312 = tpu.vector_load %arg4[%parallel_loop3A_311] {strides = array<i32>} : memref<8192xf32, #tpu.memory_space<vmem>>, vector<16xf32>,
      %parallel_loop3A_313 = vector.shape_cast %parallel_loop3A_312 : vector<16xf32> to vector<16xf32>
      %parallel_loop3A_314 = arith.cmpf olt, %parallel_loop3A_313, %parallel_loop3A_241 : vector<16xf32>
      %parallel_loop3A_315 = arith.minimumf %parallel_loop3A_313, %parallel_loop3A_241 : vector<16xf32>
      %parallel_loop3A_316 = arith.select %parallel_loop3A_314, %parallel_loop3A_252, %parallel_loop3A_249 : vector<16xi1>, vector<16xi32>
      scf.yield %parallel_loop3A_259, %parallel_loop3A_267, %parallel_loop3A_275, %parallel_loop3A_283, %parallel_loop3A_291, %parallel_loop3A_299, %parallel_loop3A_307, %parallel_loop3A_315, %parallel_loop3A_260, %parallel_loop3A_268, %parallel_loop3A_276, %parallel_loop3A_284, %parallel_loop3A_292, %parallel_loop3A_300, %parallel_loop3A_308, %parallel_loop3A_316 : vector<16xf32>, vector<16xf32>, vector<16xf32>, vector<16xf32>, vector<16xf32>, vector<16xf32>, vector<16xf32>, vector<16xf32>, vector<16xi32>, vector<16xi32>, vector<16xi32>, vector<16xi32>, vector<16xi32>, vector<16xi32>, vector<16xi32>, vector<16xi32>
    } {sc.loop_unroll_factor = 2 : i64, sc.parallel_access}
    %add3A_93 = arith.constant 0 : i32
    %add3A_94 = vector.broadcast %add3A_93 : i32 to vector<16xi32>
    %add3A_95 = arith.addi %iota3A, %add3A_94 : vector<16xi32>
    %add3A_96 = arith.addi %parallel_loop3A_92#8, %add3A_95 : vector<16xi32>
    %add3A_97 = arith.constant 16 : i32
    %add3A_98 = vector.broadcast %add3A_97 : i32 to vector<16xi32>
    %add3A_99 = arith.addi %iota3A, %add3A_98 : vector<16xi32>
    %add3A_100 = arith.addi %parallel_loop3A_92#9, %add3A_99 : vector<16xi32>
    %add3A_101 = arith.constant 32 : i32
    %add3A_102 = vector.broadcast %add3A_101 : i32 to vector<16xi32>
    %add3A_103 = arith.addi %iota3A, %add3A_102 : vector<16xi32>
    %add3A_104 = arith.addi %parallel_loop3A_92#10, %add3A_103 : vector<16xi32>
    %add3A_105 = arith.constant 48 : i32
    %add3A_106 = vector.broadcast %add3A_105 : i32 to vector<16xi32>
    %add3A_107 = arith.addi %iota3A, %add3A_106 : vector<16xi32>
    %add3A_108 = arith.addi %parallel_loop3A_92#11, %add3A_107 : vector<16xi32>
    %add3A_109 = arith.constant 64 : i32
    %add3A_110 = vector.broadcast %add3A_109 : i32 to vector<16xi32>
    %add3A_111 = arith.addi %iota3A, %add3A_110 : vector<16xi32>
    %add3A_112 = arith.addi %parallel_loop3A_92#12, %add3A_111 : vector<16xi32>
    %add3A_113 = arith.constant 80 : i32
    %add3A_114 = vector.broadcast %add3A_113 : i32 to vector<16xi32>
    %add3A_115 = arith.addi %iota3A, %add3A_114 : vector<16xi32>
    %add3A_116 = arith.addi %parallel_loop3A_92#13, %add3A_115 : vector<16xi32>
    %add3A_117 = arith.constant 96 : i32
    %add3A_118 = vector.broadcast %add3A_117 : i32 to vector<16xi32>
    %add3A_119 = arith.addi %iota3A, %add3A_118 : vector<16xi32>
    %add3A_120 = arith.addi %parallel_loop3A_92#14, %add3A_119 : vector<16xi32>
    %add3A_121 = arith.constant 112 : i32
    %add3A_122 = vector.broadcast %add3A_121 : i32 to vector<16xi32>
    %add3A_123 = arith.addi %iota3A, %add3A_122 : vector<16xi32>
    %add3A_124 = arith.addi %parallel_loop3A_92#15, %add3A_123 : vector<16xi32>
    %lt3A = arith.cmpf olt, %parallel_loop3A_92#1, %parallel_loop3A_92#0 : vector<16xf32>
    %eq3A = arith.cmpf oeq, %parallel_loop3A_92#1, %parallel_loop3A_92#0 : vector<16xf32>
    %select_n3A = arith.select %lt3A, %parallel_loop3A_92#1, %parallel_loop3A_92#0 : vector<16xi1>, vector<16xf32>
    %lt3A_125 = arith.cmpi slt, %add3A_100, %add3A_96 : vector<16xi32>
    %and3A = arith.andi %eq3A, %lt3A_125 : vector<16xi1>
    %or3A = arith.ori %lt3A, %and3A : vector<16xi1>
    %select_n3A_126 = arith.select %or3A, %add3A_100, %add3A_96 : vector<16xi1>, vector<16xi32>
    %lt3A_127 = arith.cmpf olt, %parallel_loop3A_92#2, %select_n3A : vector<16xf32>
    %eq3A_128 = arith.cmpf oeq, %parallel_loop3A_92#2, %select_n3A : vector<16xf32>
    %select_n3A_129 = arith.select %lt3A_127, %parallel_loop3A_92#2, %select_n3A : vector<16xi1>, vector<16xf32>
    %lt3A_130 = arith.cmpi slt, %add3A_104, %select_n3A_126 : vector<16xi32>
    %and3A_131 = arith.andi %eq3A_128, %lt3A_130 : vector<16xi1>
    %or3A_132 = arith.ori %lt3A_127, %and3A_131 : vector<16xi1>
    %select_n3A_133 = arith.select %or3A_132, %add3A_104, %select_n3A_126 : vector<16xi1>, vector<16xi32>
    %lt3A_134 = arith.cmpf olt, %parallel_loop3A_92#3, %select_n3A_129 : vector<16xf32>
    %eq3A_135 = arith.cmpf oeq, %parallel_loop3A_92#3, %select_n3A_129 : vector<16xf32>
    %select_n3A_136 = arith.select %lt3A_134, %parallel_loop3A_92#3, %select_n3A_129 : vector<16xi1>, vector<16xf32>
    %lt3A_137 = arith.cmpi slt, %add3A_108, %select_n3A_133 : vector<16xi32>
    %and3A_138 = arith.andi %eq3A_135, %lt3A_137 : vector<16xi1>
    %or3A_139 = arith.ori %lt3A_134, %and3A_138 : vector<16xi1>
    %select_n3A_140 = arith.select %or3A_139, %add3A_108, %select_n3A_133 : vector<16xi1>, vector<16xi32>
    %lt3A_141 = arith.cmpf olt, %parallel_loop3A_92#4, %select_n3A_136 : vector<16xf32>
    %eq3A_142 = arith.cmpf oeq, %parallel_loop3A_92#4, %select_n3A_136 : vector<16xf32>
    %select_n3A_143 = arith.select %lt3A_141, %parallel_loop3A_92#4, %select_n3A_136 : vector<16xi1>, vector<16xf32>
    %lt3A_144 = arith.cmpi slt, %add3A_112, %select_n3A_140 : vector<16xi32>
    %and3A_145 = arith.andi %eq3A_142, %lt3A_144 : vector<16xi1>
    %or3A_146 = arith.ori %lt3A_141, %and3A_145 : vector<16xi1>
    %select_n3A_147 = arith.select %or3A_146, %add3A_112, %select_n3A_140 : vector<16xi1>, vector<16xi32>
    %lt3A_148 = arith.cmpf olt, %parallel_loop3A_92#5, %select_n3A_143 : vector<16xf32>
    %eq3A_149 = arith.cmpf oeq, %parallel_loop3A_92#5, %select_n3A_143 : vector<16xf32>
    %select_n3A_150 = arith.select %lt3A_148, %parallel_loop3A_92#5, %select_n3A_143 : vector<16xi1>, vector<16xf32>
    %lt3A_151 = arith.cmpi slt, %add3A_116, %select_n3A_147 : vector<16xi32>
    %and3A_152 = arith.andi %eq3A_149, %lt3A_151 : vector<16xi1>
    %or3A_153 = arith.ori %lt3A_148, %and3A_152 : vector<16xi1>
    %select_n3A_154 = arith.select %or3A_153, %add3A_116, %select_n3A_147 : vector<16xi1>, vector<16xi32>
    %lt3A_155 = arith.cmpf olt, %parallel_loop3A_92#6, %select_n3A_150 : vector<16xf32>
    %eq3A_156 = arith.cmpf oeq, %parallel_loop3A_92#6, %select_n3A_150 : vector<16xf32>
    %select_n3A_157 = arith.select %lt3A_155, %parallel_loop3A_92#6, %select_n3A_150 : vector<16xi1>, vector<16xf32>
    %lt3A_158 = arith.cmpi slt, %add3A_120, %select_n3A_154 : vector<16xi32>
    %and3A_159 = arith.andi %eq3A_156, %lt3A_158 : vector<16xi1>
    %or3A_160 = arith.ori %lt3A_155, %and3A_159 : vector<16xi1>
    %select_n3A_161 = arith.select %or3A_160, %add3A_120, %select_n3A_154 : vector<16xi1>, vector<16xi32>
    %lt3A_162 = arith.cmpf olt, %parallel_loop3A_92#7, %select_n3A_157 : vector<16xf32>
    %eq3A_163 = arith.cmpf oeq, %parallel_loop3A_92#7, %select_n3A_157 : vector<16xf32>
    %select_n3A_164 = arith.select %lt3A_162, %parallel_loop3A_92#7, %select_n3A_157 : vector<16xi1>, vector<16xf32>
    %lt3A_165 = arith.cmpi slt, %add3A_124, %select_n3A_161 : vector<16xi32>
    %and3A_166 = arith.andi %eq3A_163, %lt3A_165 : vector<16xi1>
    %or3A_167 = arith.ori %lt3A_162, %and3A_166 : vector<16xi1>
    %select_n3A_168 = arith.select %or3A_167, %add3A_124, %select_n3A_161 : vector<16xi1>, vector<16xi32>
    %xor3A = arith.constant 8 : i32
    %xor3A_169 = vector.broadcast %xor3A : i32 to vector<16xi32>
    %xor3A_170 = arith.xori %iota3A, %xor3A_169 : vector<16xi32>
    %broadcast_in_dim3A_171 = vector.shape_cast %xor3A_170 : vector<16xi32> to vector<16x1xi32>
    %gather3A = vector.shape_cast %broadcast_in_dim3A_171 : vector<16x1xi32> to vector<16xi32>
    %gather3A_172 = tpu.dynamic_gather %select_n3A_164[%gather3A] in [0] : vector<16xf32>, vector<16xi32> -> vector<16xf32>
    %min3A = arith.minimumf %select_n3A_164, %gather3A_172 : vector<16xf32>
    %xor3A_173 = arith.constant 4 : i32
    %xor3A_174 = vector.broadcast %xor3A_173 : i32 to vector<16xi32>
    %xor3A_175 = arith.xori %iota3A, %xor3A_174 : vector<16xi32>
    %broadcast_in_dim3A_176 = vector.shape_cast %xor3A_175 : vector<16xi32> to vector<16x1xi32>
    %gather3A_177 = vector.shape_cast %broadcast_in_dim3A_176 : vector<16x1xi32> to vector<16xi32>
    %gather3A_178 = tpu.dynamic_gather %min3A[%gather3A_177] in [0] : vector<16xf32>, vector<16xi32> -> vector<16xf32>
    %min3A_179 = arith.minimumf %min3A, %gather3A_178 : vector<16xf32>
    %xor3A_180 = arith.constant 2 : i32
    %xor3A_181 = vector.broadcast %xor3A_180 : i32 to vector<16xi32>
    %xor3A_182 = arith.xori %iota3A, %xor3A_181 : vector<16xi32>
    %broadcast_in_dim3A_183 = vector.shape_cast %xor3A_182 : vector<16xi32> to vector<16x1xi32>
    %gather3A_184 = vector.shape_cast %broadcast_in_dim3A_183 : vector<16x1xi32> to vector<16xi32>
    %gather3A_185 = tpu.dynamic_gather %min3A_179[%gather3A_184] in [0] : vector<16xf32>, vector<16xi32> -> vector<16xf32>
    %min3A_186 = arith.minimumf %min3A_179, %gather3A_185 : vector<16xf32>
    %xor3A_187 = arith.constant 1 : i32
    %xor3A_188 = vector.broadcast %xor3A_187 : i32 to vector<16xi32>
    %xor3A_189 = arith.xori %iota3A, %xor3A_188 : vector<16xi32>
    %broadcast_in_dim3A_190 = vector.shape_cast %xor3A_189 : vector<16xi32> to vector<16x1xi32>
    %gather3A_191 = vector.shape_cast %broadcast_in_dim3A_190 : vector<16x1xi32> to vector<16xi32>
    %gather3A_192 = tpu.dynamic_gather %min3A_186[%gather3A_191] in [0] : vector<16xf32>, vector<16xi32> -> vector<16xf32>
    %min3A_193 = arith.minimumf %min3A_186, %gather3A_192 : vector<16xf32>
    %eq3A_194 = arith.cmpf oeq, %select_n3A_164, %min3A_193 : vector<16xf32>
    %jit3A = arith.constant 2147483647 : i32
    %broadcast_in_dim3A_195 = vector.broadcast %jit3A : i32 to vector<16xi32>
    %select_n3A_196 = arith.select %eq3A_194, %select_n3A_168, %broadcast_in_dim3A_195 : vector<16xi1>, vector<16xi32>
    %xor3A_197 = arith.constant 8 : i32
    %xor3A_198 = vector.broadcast %xor3A_197 : i32 to vector<16xi32>
    %xor3A_199 = arith.xori %iota3A, %xor3A_198 : vector<16xi32>
    %broadcast_in_dim3A_200 = vector.shape_cast %xor3A_199 : vector<16xi32> to vector<16x1xi32>
    %gather3A_201 = vector.shape_cast %broadcast_in_dim3A_200 : vector<16x1xi32> to vector<16xi32>
    %gather3A_202 = tpu.dynamic_gather %select_n3A_196[%gather3A_201] in [0] : vector<16xi32>, vector<16xi32> -> vector<16xi32>
    %min3A_203 = arith.minsi %select_n3A_196, %gather3A_202 : vector<16xi32>
    %xor3A_204 = arith.constant 4 : i32
    %xor3A_205 = vector.broadcast %xor3A_204 : i32 to vector<16xi32>
    %xor3A_206 = arith.xori %iota3A, %xor3A_205 : vector<16xi32>
    %broadcast_in_dim3A_207 = vector.shape_cast %xor3A_206 : vector<16xi32> to vector<16x1xi32>
    %gather3A_208 = vector.shape_cast %broadcast_in_dim3A_207 : vector<16x1xi32> to vector<16xi32>
    %gather3A_209 = tpu.dynamic_gather %min3A_203[%gather3A_208] in [0] : vector<16xi32>, vector<16xi32> -> vector<16xi32>
    %min3A_210 = arith.minsi %min3A_203, %gather3A_209 : vector<16xi32>
    %xor3A_211 = arith.constant 2 : i32
    %xor3A_212 = vector.broadcast %xor3A_211 : i32 to vector<16xi32>
    %xor3A_213 = arith.xori %iota3A, %xor3A_212 : vector<16xi32>
    %broadcast_in_dim3A_214 = vector.shape_cast %xor3A_213 : vector<16xi32> to vector<16x1xi32>
    %gather3A_215 = vector.shape_cast %broadcast_in_dim3A_214 : vector<16x1xi32> to vector<16xi32>
    %gather3A_216 = tpu.dynamic_gather %min3A_210[%gather3A_215] in [0] : vector<16xi32>, vector<16xi32> -> vector<16xi32>
    %min3A_217 = arith.minsi %min3A_210, %gather3A_216 : vector<16xi32>
    %xor3A_218 = arith.constant 1 : i32
    %xor3A_219 = vector.broadcast %xor3A_218 : i32 to vector<16xi32>
    %xor3A_220 = arith.xori %iota3A, %xor3A_219 : vector<16xi32>
    %broadcast_in_dim3A_221 = vector.shape_cast %xor3A_220 : vector<16xi32> to vector<16x1xi32>
    %gather3A_222 = vector.shape_cast %broadcast_in_dim3A_221 : vector<16x1xi32> to vector<16xi32>
    %gather3A_223 = tpu.dynamic_gather %min3A_217[%gather3A_222] in [0] : vector<16xi32>, vector<16xi32> -> vector<16xi32>
    %min3A_224 = arith.minsi %min3A_217, %gather3A_223 : vector<16xi32>
    %swap3A = arith.constant 0 : index
    %swap3A_225 = tpu.vector_load %arg7[%swap3A] {strides = array<i32>} : memref<16xi32, #tpu.memory_space<vmem>>, vector<16xi32>,
    %swap3A_226 = vector.shape_cast %swap3A_225 : vector<16xi32> to vector<16xi32>
    %swap3A_227 = vector.shape_cast %min3A_224 : vector<16xi32> to vector<16xi32>
    tpu.vector_store %arg7[%swap3A], %swap3A_227 {strides = array<i32>} : memref<16xi32, #tpu.memory_space<vmem>>, vector<16xi32>,
    %mul3A_228 = arith.constant 16 : i32
    %mul3A_229 = arith.muli %arg1, %mul3A_228 : i32
    "tpu.region"() ({
      %run_scoped3A = tpu.sem_alloc : memref<!tpu.dma_semaphore, #tpu.memory_space<semaphore_mem>>
      %dma_start3A_233 = tpu.memref_slice %arg9[%mul3A_229] : memref<256xi32, #tpu.memory_space<vmem_shared>> -> memref<16xi32, #tpu.memory_space<vmem_shared>>
      %dma_start3A_234 = tpu.memref_slice %arg9[%mul3A_229] : memref<256xi32, #tpu.memory_space<vmem_shared>> -> memref<16xi32, #tpu.memory_space<vmem_shared>>
      tpu.enqueue_dma source(%arg7 : memref<16xi32, #tpu.memory_space<vmem>>) target(%dma_start3A_234 : memref<16xi32, #tpu.memory_space<vmem_shared>>) target_semaphore(%run_scoped3A : memref<!tpu.dma_semaphore, #tpu.memory_space<semaphore_mem>>)
      %dma_wait3A_235 = tpu.memref_slice %arg9[%mul3A_229] : memref<256xi32, #tpu.memory_space<vmem_shared>> -> memref<16xi32, #tpu.memory_space<vmem_shared>>
      %dma_wait3A_236 = tpu.memref_slice %arg9[%mul3A_229] : memref<256xi32, #tpu.memory_space<vmem_shared>> -> memref<16xi32, #tpu.memory_space<vmem_shared>>
      tpu.wait_dma2 semaphore(%run_scoped3A : memref<!tpu.dma_semaphore, #tpu.memory_space<semaphore_mem>>) src(%arg7 : memref<16xi32, #tpu.memory_space<vmem>>) dst(%dma_wait3A_236 : memref<16xi32, #tpu.memory_space<vmem_shared>>)
      tpu.yield
    }) : () -> ()
    %barrier3A = arith.constant 0 : index
    tpu.barrier barrier_id(%barrier3A)
    %eq3A_230 = arith.constant 0 : i32
    %eq3A_231 = arith.cmpi eq, %arg1, %eq3A_230 : i32
    %convert_element_type3A = arith.extui %eq3A_231 : i1 to i32
    %cond3A = arith.constant 0 : i32
    %cond3A_232 = arith.cmpi ne, %convert_element_type3A, %cond3A : i32
    scf.if %cond3A_232 {
      "tpu.region"() ({
        %run_scoped3A = tpu.sem_alloc : memref<!tpu.dma_semaphore, #tpu.memory_space<semaphore_mem>>
        tpu.enqueue_dma source(%arg9 : memref<256xi32, #tpu.memory_space<vmem_shared>>) target(%arg8 : memref<256xi32, #tpu.memory_space<vmem>>) target_semaphore(%run_scoped3A : memref<!tpu.dma_semaphore, #tpu.memory_space<semaphore_mem>>)
        tpu.wait_dma2 semaphore(%run_scoped3A : memref<!tpu.dma_semaphore, #tpu.memory_space<semaphore_mem>>) src(%arg9 : memref<256xi32, #tpu.memory_space<vmem_shared>>) dst(%arg8 : memref<256xi32, #tpu.memory_space<vmem>>)
        tpu.yield
      }) : () -> ()
      %broadcast_in_dim3A_233 = arith.constant 0 : i32
      %broadcast_in_dim3A_234 = vector.broadcast %broadcast_in_dim3A_233 : i32 to vector<16xi32>
      %eq3A_235 = arith.constant 0 : i32
      %eq3A_236 = vector.broadcast %eq3A_235 : i32 to vector<16xi32>
      %eq3A_237 = arith.cmpi eq, %iota3A, %eq3A_236 : vector<16xi32>
      %get3A = arith.constant 0 : index
      %get3A_238 = tpu.vector_load %arg8[%get3A] {strides = array<i32>} : memref<256xi32, #tpu.memory_space<vmem>>, vector<16xi32>,
      %get3A_239 = vector.shape_cast %get3A_238 : vector<16xi32> to vector<16xi32>
      %select_n3A_240 = arith.select %eq3A_237, %get3A_239, %broadcast_in_dim3A_234 : vector<16xi1>, vector<16xi32>
      %eq3A_241 = arith.constant 1 : i32
      %eq3A_242 = vector.broadcast %eq3A_241 : i32 to vector<16xi32>
      %eq3A_243 = arith.cmpi eq, %iota3A, %eq3A_242 : vector<16xi32>
      %get3A_244 = arith.constant 16 : index
      %get3A_245 = tpu.vector_load %arg8[%get3A_244] {strides = array<i32>} : memref<256xi32, #tpu.memory_space<vmem>>, vector<16xi32>,
      %get3A_246 = vector.shape_cast %get3A_245 : vector<16xi32> to vector<16xi32>
      %select_n3A_247 = arith.select %eq3A_243, %get3A_246, %select_n3A_240 : vector<16xi1>, vector<16xi32>
      %eq3A_248 = arith.constant 2 : i32
      %eq3A_249 = vector.broadcast %eq3A_248 : i32 to vector<16xi32>
      %eq3A_250 = arith.cmpi eq, %iota3A, %eq3A_249 : vector<16xi32>
      %get3A_251 = arith.constant 32 : index
      %get3A_252 = tpu.vector_load %arg8[%get3A_251] {strides = array<i32>} : memref<256xi32, #tpu.memory_space<vmem>>, vector<16xi32>,
      %get3A_253 = vector.shape_cast %get3A_252 : vector<16xi32> to vector<16xi32>
      %select_n3A_254 = arith.select %eq3A_250, %get3A_253, %select_n3A_247 : vector<16xi1>, vector<16xi32>
      %eq3A_255 = arith.constant 3 : i32
      %eq3A_256 = vector.broadcast %eq3A_255 : i32 to vector<16xi32>
      %eq3A_257 = arith.cmpi eq, %iota3A, %eq3A_256 : vector<16xi32>
      %get3A_258 = arith.constant 48 : index
      %get3A_259 = tpu.vector_load %arg8[%get3A_258] {strides = array<i32>} : memref<256xi32, #tpu.memory_space<vmem>>, vector<16xi32>,
      %get3A_260 = vector.shape_cast %get3A_259 : vector<16xi32> to vector<16xi32>
      %select_n3A_261 = arith.select %eq3A_257, %get3A_260, %select_n3A_254 : vector<16xi1>, vector<16xi32>
      %eq3A_262 = arith.constant 4 : i32
      %eq3A_263 = vector.broadcast %eq3A_262 : i32 to vector<16xi32>
      %eq3A_264 = arith.cmpi eq, %iota3A, %eq3A_263 : vector<16xi32>
      %get3A_265 = arith.constant 64 : index
      %get3A_266 = tpu.vector_load %arg8[%get3A_265] {strides = array<i32>} : memref<256xi32, #tpu.memory_space<vmem>>, vector<16xi32>,
      %get3A_267 = vector.shape_cast %get3A_266 : vector<16xi32> to vector<16xi32>
      %select_n3A_268 = arith.select %eq3A_264, %get3A_267, %select_n3A_261 : vector<16xi1>, vector<16xi32>
      %eq3A_269 = arith.constant 5 : i32
      %eq3A_270 = vector.broadcast %eq3A_269 : i32 to vector<16xi32>
      %eq3A_271 = arith.cmpi eq, %iota3A, %eq3A_270 : vector<16xi32>
      %get3A_272 = arith.constant 80 : index
      %get3A_273 = tpu.vector_load %arg8[%get3A_272] {strides = array<i32>} : memref<256xi32, #tpu.memory_space<vmem>>, vector<16xi32>,
      %get3A_274 = vector.shape_cast %get3A_273 : vector<16xi32> to vector<16xi32>
      %select_n3A_275 = arith.select %eq3A_271, %get3A_274, %select_n3A_268 : vector<16xi1>, vector<16xi32>
      %eq3A_276 = arith.constant 6 : i32
      %eq3A_277 = vector.broadcast %eq3A_276 : i32 to vector<16xi32>
      %eq3A_278 = arith.cmpi eq, %iota3A, %eq3A_277 : vector<16xi32>
      %get3A_279 = arith.constant 96 : index
      %get3A_280 = tpu.vector_load %arg8[%get3A_279] {strides = array<i32>} : memref<256xi32, #tpu.memory_space<vmem>>, vector<16xi32>,
      %get3A_281 = vector.shape_cast %get3A_280 : vector<16xi32> to vector<16xi32>
      %select_n3A_282 = arith.select %eq3A_278, %get3A_281, %select_n3A_275 : vector<16xi1>, vector<16xi32>
      %eq3A_283 = arith.constant 7 : i32
      %eq3A_284 = vector.broadcast %eq3A_283 : i32 to vector<16xi32>
      %eq3A_285 = arith.cmpi eq, %iota3A, %eq3A_284 : vector<16xi32>
      %get3A_286 = arith.constant 112 : index
      %get3A_287 = tpu.vector_load %arg8[%get3A_286] {strides = array<i32>} : memref<256xi32, #tpu.memory_space<vmem>>, vector<16xi32>,
      %get3A_288 = vector.shape_cast %get3A_287 : vector<16xi32> to vector<16xi32>
      %select_n3A_289 = arith.select %eq3A_285, %get3A_288, %select_n3A_282 : vector<16xi1>, vector<16xi32>
      %eq3A_290 = arith.constant 8 : i32
      %eq3A_291 = vector.broadcast %eq3A_290 : i32 to vector<16xi32>
      %eq3A_292 = arith.cmpi eq, %iota3A, %eq3A_291 : vector<16xi32>
      %get3A_293 = arith.constant 128 : index
      %get3A_294 = tpu.vector_load %arg8[%get3A_293] {strides = array<i32>} : memref<256xi32, #tpu.memory_space<vmem>>, vector<16xi32>,
      %get3A_295 = vector.shape_cast %get3A_294 : vector<16xi32> to vector<16xi32>
      %select_n3A_296 = arith.select %eq3A_292, %get3A_295, %select_n3A_289 : vector<16xi1>, vector<16xi32>
      %eq3A_297 = arith.constant 9 : i32
      %eq3A_298 = vector.broadcast %eq3A_297 : i32 to vector<16xi32>
      %eq3A_299 = arith.cmpi eq, %iota3A, %eq3A_298 : vector<16xi32>
      %get3A_300 = arith.constant 144 : index
      %get3A_301 = tpu.vector_load %arg8[%get3A_300] {strides = array<i32>} : memref<256xi32, #tpu.memory_space<vmem>>, vector<16xi32>,
      %get3A_302 = vector.shape_cast %get3A_301 : vector<16xi32> to vector<16xi32>
      %select_n3A_303 = arith.select %eq3A_299, %get3A_302, %select_n3A_296 : vector<16xi1>, vector<16xi32>
      %eq3A_304 = arith.constant 10 : i32
      %eq3A_305 = vector.broadcast %eq3A_304 : i32 to vector<16xi32>
      %eq3A_306 = arith.cmpi eq, %iota3A, %eq3A_305 : vector<16xi32>
      %get3A_307 = arith.constant 160 : index
      %get3A_308 = tpu.vector_load %arg8[%get3A_307] {strides = array<i32>} : memref<256xi32, #tpu.memory_space<vmem>>, vector<16xi32>,
      %get3A_309 = vector.shape_cast %get3A_308 : vector<16xi32> to vector<16xi32>
      %select_n3A_310 = arith.select %eq3A_306, %get3A_309, %select_n3A_303 : vector<16xi1>, vector<16xi32>
      %eq3A_311 = arith.constant 11 : i32
      %eq3A_312 = vector.broadcast %eq3A_311 : i32 to vector<16xi32>
      %eq3A_313 = arith.cmpi eq, %iota3A, %eq3A_312 : vector<16xi32>
      %get3A_314 = arith.constant 176 : index
      %get3A_315 = tpu.vector_load %arg8[%get3A_314] {strides = array<i32>} : memref<256xi32, #tpu.memory_space<vmem>>, vector<16xi32>,
      %get3A_316 = vector.shape_cast %get3A_315 : vector<16xi32> to vector<16xi32>
      %select_n3A_317 = arith.select %eq3A_313, %get3A_316, %select_n3A_310 : vector<16xi1>, vector<16xi32>
      %eq3A_318 = arith.constant 12 : i32
      %eq3A_319 = vector.broadcast %eq3A_318 : i32 to vector<16xi32>
      %eq3A_320 = arith.cmpi eq, %iota3A, %eq3A_319 : vector<16xi32>
      %get3A_321 = arith.constant 192 : index
      %get3A_322 = tpu.vector_load %arg8[%get3A_321] {strides = array<i32>} : memref<256xi32, #tpu.memory_space<vmem>>, vector<16xi32>,
      %get3A_323 = vector.shape_cast %get3A_322 : vector<16xi32> to vector<16xi32>
      %select_n3A_324 = arith.select %eq3A_320, %get3A_323, %select_n3A_317 : vector<16xi1>, vector<16xi32>
      %eq3A_325 = arith.constant 13 : i32
      %eq3A_326 = vector.broadcast %eq3A_325 : i32 to vector<16xi32>
      %eq3A_327 = arith.cmpi eq, %iota3A, %eq3A_326 : vector<16xi32>
      %get3A_328 = arith.constant 208 : index
      %get3A_329 = tpu.vector_load %arg8[%get3A_328] {strides = array<i32>} : memref<256xi32, #tpu.memory_space<vmem>>, vector<16xi32>,
      %get3A_330 = vector.shape_cast %get3A_329 : vector<16xi32> to vector<16xi32>
      %select_n3A_331 = arith.select %eq3A_327, %get3A_330, %select_n3A_324 : vector<16xi1>, vector<16xi32>
      %eq3A_332 = arith.constant 14 : i32
      %eq3A_333 = vector.broadcast %eq3A_332 : i32 to vector<16xi32>
      %eq3A_334 = arith.cmpi eq, %iota3A, %eq3A_333 : vector<16xi32>
      %get3A_335 = arith.constant 224 : index
      %get3A_336 = tpu.vector_load %arg8[%get3A_335] {strides = array<i32>} : memref<256xi32, #tpu.memory_space<vmem>>, vector<16xi32>,
      %get3A_337 = vector.shape_cast %get3A_336 : vector<16xi32> to vector<16xi32>
      %select_n3A_338 = arith.select %eq3A_334, %get3A_337, %select_n3A_331 : vector<16xi1>, vector<16xi32>
      %eq3A_339 = arith.constant 15 : i32
      %eq3A_340 = vector.broadcast %eq3A_339 : i32 to vector<16xi32>
      %eq3A_341 = arith.cmpi eq, %iota3A, %eq3A_340 : vector<16xi32>
      %get3A_342 = arith.constant 240 : index
      %get3A_343 = tpu.vector_load %arg8[%get3A_342] {strides = array<i32>} : memref<256xi32, #tpu.memory_space<vmem>>, vector<16xi32>,
      %get3A_344 = vector.shape_cast %get3A_343 : vector<16xi32> to vector<16xi32>
      %select_n3A_345 = arith.select %eq3A_341, %get3A_344, %select_n3A_338 : vector<16xi1>, vector<16xi32>
      %swap3A_346 = arith.constant 0 : index
      %swap3A_347 = tpu.vector_load %arg7[%swap3A_346] {strides = array<i32>} : memref<16xi32, #tpu.memory_space<vmem>>, vector<16xi32>,
      %swap3A_348 = vector.shape_cast %swap3A_347 : vector<16xi32> to vector<16xi32>
      %swap3A_349 = vector.shape_cast %select_n3A_345 : vector<16xi32> to vector<16xi32>
      tpu.vector_store %arg7[%swap3A_346], %swap3A_349 {strides = array<i32>} : memref<16xi32, #tpu.memory_space<vmem>>, vector<16xi32>,
      %mul3A_350 = arith.constant 16 : i32
      %mul3A_351 = arith.muli %arg0, %mul3A_350 : i32
      "tpu.region"() ({
        %run_scoped3A = tpu.sem_alloc : memref<!tpu.dma_semaphore, #tpu.memory_space<semaphore_mem>>
        %dma_start3A_352 = tpu.memref_slice %arg3[%mul3A_351] : memref<32xi32, #tpu.memory_space<hbm>> -> memref<16xi32, #tpu.memory_space<hbm>>
        %dma_start3A_353 = tpu.memref_slice %arg3[%mul3A_351] : memref<32xi32, #tpu.memory_space<hbm>> -> memref<16xi32, #tpu.memory_space<hbm>>
        tpu.enqueue_dma source(%arg7 : memref<16xi32, #tpu.memory_space<vmem>>) target(%dma_start3A_353 : memref<16xi32, #tpu.memory_space<hbm>>) target_semaphore(%run_scoped3A : memref<!tpu.dma_semaphore, #tpu.memory_space<semaphore_mem>>)
        %dma_wait3A_354 = tpu.memref_slice %arg3[%mul3A_351] : memref<32xi32, #tpu.memory_space<hbm>> -> memref<16xi32, #tpu.memory_space<hbm>>
        %dma_wait3A_355 = tpu.memref_slice %arg3[%mul3A_351] : memref<32xi32, #tpu.memory_space<hbm>> -> memref<16xi32, #tpu.memory_space<hbm>>
        tpu.wait_dma2 semaphore(%run_scoped3A : memref<!tpu.dma_semaphore, #tpu.memory_space<semaphore_mem>>) src(%arg7 : memref<16xi32, #tpu.memory_space<vmem>>) dst(%dma_wait3A_355 : memref<16xi32, #tpu.memory_space<hbm>>)
        tpu.yield
      }) : () -> ()
    } else {
    }
    return
  }
}

module attributes {stable_mosaic.version = 14 : i64} {
  func.func @body(%arg0: i32, %arg1: memref<32x32768xf32, #tpu.memory_space<vmem>>, %arg2: memref<1x1x32xi32, #tpu.memory_space<vmem>>) attributes {dimension_semantics = [#tpu.dimension_semantics<arbitrary>], iteration_bounds = array<i64: 3>, scalar_prefetch = 0 : i64, scratch_operands = 0 : i64, tpu.core_type = #tpu.core_type<tc>, window_params = [{transform_indices = @transform_0, window_bounds = array<i64: 32, 32768>}, {transform_indices = @transform_1, window_bounds = array<i64: 1, 1, 32>}]} {
    %get3A = arith.constant 0 : index
    %get3A_0 = arith.constant 0 : index
    %get3A_1 = vector.load %arg1[%get3A, %get3A_0] : memref<32x32768xf32, #tpu.memory_space<vmem>>, vector<32x32768xf32>
    %argmin3A = tpu.reduce_index %get3A_1 {axis = 1 : i32, kind = #tpu.reduction_kind<arg_min>} : vector<32x32768xf32> -> vector<32xi32>
    %reshape3A = vector.shape_cast %argmin3A : vector<32xi32> to vector<1x1x32xi32>
    %swap3A = arith.constant 0 : index
    %swap3A_2 = arith.constant 0 : index
    %swap3A_3 = arith.constant 0 : index
    %swap3A_4 = vector.load %arg2[%swap3A, %swap3A_2, %swap3A_3] : memref<1x1x32xi32, #tpu.memory_space<vmem>>, vector<1x1x32xi32>
    tpu.vector_store %arg2[%swap3A, %swap3A_2, %swap3A_3], %reshape3A {strides = array<i32>} : memref<1x1x32xi32, #tpu.memory_space<vmem>>, vector<1x1x32xi32>,
    return
  }
  func.func @transform_0(%arg0: i32) -> (i32, i32) {
    %add3A = arith.constant 1 : i32
    %add3A_0 = arith.addi %arg0, %add3A : i32
    %c0_i32 = arith.constant 0 : i32
    %c0_i32_1 = arith.constant 0 : i32
    return %add3A_0, %c0_i32 : i32, i32
  }
  func.func @transform_1(%arg0: i32) -> (i32, i32, i32) {
    %c0_i32 = arith.constant 0 : i32
    %c0_i32_0 = arith.constant 0 : i32
    %c0_i32_1 = arith.constant 0 : i32
    return %arg0, %c0_i32, %c0_i32_0 : i32, i32, i32
  }
}

</mosaic_0001>

<sc_bundles>
// kernel: kernel.4.cloned.1.call-start
scs
__scs_entry_jumppad:
0x0: {  	(pc) =	sbr.rel $0x88, $3  }
0x1: {  	(tag) =	ssettag $0x0;
	lr =	simm.s32 $0x1  }
0x2: {  	[smem:$0x3FA0] =	sst lr;
	_ =	strace $0xD0000000  }
0x3: {  	_ = 	snop  }
0x4: {  	_ = 	snop  }
0x5: {  	_ = 	snop  }
0x6: {  	_ = 	snop  }
0x7: {  	_ = 	snop  }
__scs_overlays_trampoline_lowered:
0x8: {  	[smem:$0x3FAF] =	sst s0  }
0x9: {  	[smem:$0x3FB0] =	sst s1  }
0xa: {  	[smem:$0x3FB1] =	sst s2  }
0xb: {  	[smem:$0x3FB2] =	sst s3  }
0xc: {  	[smem:$0x3FB3] =	sst s4  }
0xd: {  	[smem:$0x3FB4] =	sst s5  }
0xe: {  	[smem:$0x3FB5] =	sst s6  }
0xf: {  	[smem:$0x3FB6] =	sst s7  }
0x10: {  	[smem:$0x3FB7] =	sst s8  }
0x11: {  	[smem:$0x3FB8] =	sst s9;
	s0 =	simm.s32 @!p0 $0x0  }
0x12: {  	s1 =	sld [smem:$0x3F9E];
	s0 =	simm.s32 @p0 $0x1  }
0x13: {  	[smem:$0x3FB9] =	sst s0;
	s0 =	simm.s32 @!p1 $0x0  }
0x14: {  	s2 =	sld [smem:$0x3F9D];
	s0 =	simm.s32 @p1 $0x1  }
0x15: {  	[smem:$0x3FBA] =	sst s0;
	s0 =	simm.s32 @!p2 $0x0  }
0x16: {  	s3 =	sld [smem:$0x3FDB];
	s0 =	simm.s32 @p2 $0x1  }
0x17: {  	s4 =	simm.s32 $0x1BF5;
	[smem:$0x3FBC] =	sst s0  }
0x18: {  	s0 =	sld [smem:$0x3F9F];
	_ =	swait.ge [sflag:s4], $0x0  }
0x19: {  	s7 =	sld [smem:$0x3FA0]  }
0x1a: {  	s8 =	sadd.s32 $0xFFFFE003, lr  }
0x1b: {  	s9 =	sadd.s32 $0xFFFFFEF7, lr;
	s5 =	simm.s32 $0xFFFFFFFF;
	p2 =	slt.u32 s8, $0xFFFFF086  }
0x1c: {  	p1 =	slt.u32 s9, $0xF7A;
	s5 =	simm.s32 @!p2 $0x0  }
0x1d: {  	s5 =	simm.s32 @p1 $0x1;
	p0 =	seq.s32 s7, s2  }
0x1e: {  	s7 =	smul.u32 @!p0 $0xF7A, s2;
	p2 =	seq.s32 @!p0 s5, $0x0  }
0x1f: {  	s9 =	smul.u32 $0xF7A, s1;
	s8 =	simm.s32 @!p0 $0x1BF5;
	p2 =	por !p2, p0  }
0x20: {  	[sflag:s8] =	ssyncset.s32 @!p0 $0xFFFFF086;
	s6 =	sadd.s32 @!p0 s3, s7;
	s7 =	simm.s32 @!p0 $0x108  }
0x21: {  	s3 =	sadd.s32 s3, s9;
	s6 =	sadd.s32 @!p0 $0x88, s6;
	s7 =	simm.s32 @p2 $0x1082  }
0x22: {  	[simem:s7], [sflag:s8] =	dma.local @!p0 [hbm:s6], $0xF7A  }
0x23: {  	s9 =	sor.u32 $0xD0000000, s2;
	s6 =	simm.s32 $0x108;
	_ =	swait.ge @!p0 [sflag:s8], $0x0  }
0x24: {  	s3 =	sadd.s32 $0x88, s3;
	s6 =	simm.s32 @!p1 $0x1082;
	[sflag:s4] =	ssyncset.s32 $0xFFFFF086  }
0x25: {  	[simem:s6], [sflag:s4] =	dma.local [hbm:s3], $0xF7A  }
0x26: {  	[smem:$0x3FA0] =	sst s1;
	(tag) =	ssettag s2;
	_ =	strace s9  }
0x27: {  	s1 =	sld [smem:$0x3FB0]  }
0x28: {  	s2 =	sld [smem:$0x3FB1]  }
0x29: {  	s4 =	sld [smem:$0x3FB3]  }
0x2a: {  	p0 =	seq.s32 s5, $0x0;
	s5 =	sld [smem:$0x3FB4]  }
0x2b: {  	s6 =	sld [smem:$0x3FB5]  }
0x2c: {  	s7 =	sld [smem:$0x3FB6]  }
0x2d: {  	s3 =	simm.s32 $0x108;
	s8 =	sld [smem:$0x3FB7]  }
0x2e: {  	s3 =	simm.s32 @!p0 $0x1082;
	s9 =	sld [smem:$0x3FB8]  }
0x2f: {  	lr =	sadd.s32 s0, s3;
	s0 =	sld [smem:$0x3FAF]  }
0x30: {  	s3 =	sld [smem:$0x3FB2]  }
0x31: {  	[smem:$0x3FBB] =	sst s10  }
0x32: {  	s10 =	sld [smem:$0x3FB9];
	_ =	sdelay $0x3  }
0x33: {  	p0 =	seq.s32 s10, $0x1;
	s10 =	sld [smem:$0x3FBB];
	_ =	sdelay $0x3  }
0x34: {  	[smem:$0x3FBB] =	sst s10  }
0x35: {  	s10 =	sld [smem:$0x3FBA];
	_ =	sdelay $0x3  }
0x36: {  	p1 =	seq.s32 s10, $0x1;
	s10 =	sld [smem:$0x3FBB];
	_ =	sdelay $0x3  }
0x37: {  	[smem:$0x3FBB] =	sst s10  }
0x38: {  	s10 =	sld [smem:$0x3FBC]  }
0x39: {  	_ = 	snop;
	(pc) =	sbr.ind lr, $3  }
0x3a: {  	_ = 	snop  }
0x3b: {  	_ = 	snop  }
0x3c: {  	p2 =	seq.s32 s10, $0x1;
	s10 =	sld [smem:$0x3FBB]  }
0x3d: {  	_ =	shalt  }
0x3e: {  	_ =	shalt  }
0x3f: {  	_ =	shalt  }
0x40: {  	_ =	shalt  }
0x41: {  	_ =	shalt  }
0x42: {  	_ =	shalt  }
0x43: {  	_ =	shalt  }
0x44: {  	_ =	shalt  }
0x45: {  	_ =	shalt  }
0x46: {  	_ =	shalt  }
0x47: {  	_ =	shalt  }
0x48: {  	_ =	shalt  }
0x49: {  	_ =	shalt  }
0x4a: {  	_ =	shalt  }
0x4b: {  	_ =	shalt  }
0x4c: {  	_ =	shalt  }
0x4d: {  	_ =	shalt  }
0x4e: {  	_ =	shalt  }
0x4f: {  	_ =	shalt  }
0x50: {  	_ =	shalt  }
0x51: {  	_ =	shalt  }
0x52: {  	_ =	shalt  }
0x53: {  	_ =	shalt  }
0x54: {  	_ =	shalt  }
0x55: {  	_ =	shalt  }
0x56: {  	_ =	shalt  }
0x57: {  	_ =	shalt  }
0x58: {  	_ =	shalt  }
0x59: {  	_ =	shalt  }
0x5a: {  	_ =	shalt  }
0x5b: {  	_ =	shalt  }
0x5c: {  	_ =	shalt  }
0x5d: {  	_ =	shalt  }
0x5e: {  	_ =	shalt  }
0x5f: {  	_ =	shalt  }
0x60: {  	_ =	shalt  }
0x61: {  	_ =	shalt  }
0x62: {  	_ =	shalt  }
0x63: {  	_ =	shalt  }
0x64: {  	_ =	shalt  }
0x65: {  	_ =	shalt  }
0x66: {  	_ =	shalt  }
0x67: {  	_ =	shalt  }
0x68: {  	_ =	shalt  }
0x69: {  	_ =	shalt  }
0x6a: {  	_ =	shalt  }
0x6b: {  	_ =	shalt  }
0x6c: {  	_ =	shalt  }
0x6d: {  	_ =	shalt  }
0x6e: {  	_ =	shalt  }
0x6f: {  	_ =	shalt  }
0x70: {  	_ =	shalt  }
0x71: {  	_ =	shalt  }
0x72: {  	_ =	shalt  }
0x73: {  	_ =	shalt  }
0x74: {  	_ =	shalt  }
0x75: {  	_ =	shalt  }
0x76: {  	_ =	shalt  }
0x77: {  	_ =	shalt  }
0x78: {  	_ =	shalt  }
0x79: {  	_ =	shalt  }
0x7a: {  	_ =	shalt  }
0x7b: {  	_ =	shalt  }
0x7c: {  	_ =	shalt  }
0x7d: {  	_ =	shalt  }
0x7e: {  	_ =	shalt  }
0x7f: {  	_ =	shalt  }
0x80: {  	_ =	shalt  }
0x81: {  	_ =	shalt  }
0x82: {  	_ =	shalt  }
0x83: {  	_ =	shalt  }
0x84: {  	_ =	shalt  }
0x85: {  	_ =	shalt  }
0x86: {  	_ =	shalt  }
0x87: {  	_ =	shalt  }
.Lfunc_end0:
.L_simem_size_0:
called_computation_lowered:
.L_overlay_start_0:
0x88: {  	s2 =	sld [smem:$0x3FD9]  }
0x89: {  	s3 =	sld [smem:$0x3FFE];
	_ =	sdelay $0x1  }
0x8a: {  	s1 =	srdreg.scid  }
0x8b: {  	s0 =	sand.u32 $0x1, s1  }
0x8c: {  	s17 =	sshll.u32 s0, $0xA;
	s2 =	sadd.s32 s3, s2  }
0x8d: {  	s2 =	sadd.s32 s2, s17  }
0x8e: {  	[smem:$0x3FC7] =	sst s2  }
0x8f: {  	_ = 	snop  }
0x90: {  	s2 =	sld [smem:$0x3FC9];
	(tm) =	ssettm $0x1  }
0x91: {  	s18 =	sld [smem:$0x3FFB];
	_ =	sdelay $0x3  }
0x92: {  	_ =	strace s18  }
0x93: {  	s3 =	sld [smem:$0x3FFC];
	_ =	sdelay $0x3  }
0x94: {  	_ =	strace s3  }
0x95: {  	s3 =	sld [smem:$0x3FFD];
	_ =	sdelay $0x3  }
0x96: {  	_ =	strace s3  }
0x97: {  	_ =	strace $0x8FFFFFFF  }
0x98: {  	s19 =	sld [smem:$0x3FDB];
	_ =	sdelay $0x1  }
0x99: {  	s4 =	simm.s32 $_scs_section_size  }
0x9a: {  	s5 =	simm.s32 $_size__tile_overlayer_lowered;
	s6 =	simm.s32 $_tile_overlayer_lowered  }
0x9b: {  	s22 =	simm.s32 $0x1BFF;
	s21 =	sshll.u32 s6, $0x1;
	s3 =	sadd.s32 s4, s19  }
0x9c: {  	s7 =	simm.s32 $0x0;
	s20 =	sshll.u32 s5, $0x1;
	s5 =	sadd.s32 s21, s3  }
0x9d: {  	[timem:s7], [sflag:s22] =	dma.local [hbm:s5], s20  }
0x9e: {  	_ =	swait.ge [sflag:s22], s20  }
0x9f: {  	s4 =	ssub.s32 $0x0, s20;
	[sflag:s22] =	ssyncset.done $0x0  }
0xa0: {  	[sflag:s22] =	ssyncadd.s32 s4;
	_ =	sdelay $0x1  }
0xa1: {  	s23 =	simm.s32 $0x1B8B  }
0xa2: {  	_ =	swait.ge [sflag:s23], $0x1  }
0xa3: {  	[sflag:s23] =	ssyncset.done $0x0  }
0xa4: {  	s25 =	simm.s32 $0x1B8E;
	s24 =	sld [smem:$0x3FFE];
	[sflag:s23] =	ssyncadd.s32 $0xFFFFFFFF  }
0xa5: {  	s26 =	simm.s32 $execute0_lowered;
	[smem:$0x3FD2] =	sst s25  }
0xa6: {  	s5 =	sshll.u32 s26, $0x1;
	_ =	strace $0x80000046;
	[dreg:$0x1] =	wrdreg $0xFFFFFFFF  }
0xa7: {  	s28 =	simm.s32 $_size_execute0_lowered;
	s3 =	sadd.s32 s3, s5;
	[dreg:$0x0] =	wrdreg $0x0  }
0xa8: {  	s5 =	sshll.u32 s28, $0x1;
	[dreg:$0x2] =	wrdreg s3  }
0xa9: {  	[dreg:$0x3] =	wrdreg s5  }
0xaa: {  	[dreg:$0x4] =	wrdreg $0xC0  }
0xab: {  	_ =	task [dreg:s7], $0x5FFFF  }
0xac: {  	[dreg:$0x1] =	wrdreg $0xFFFFFFFF  }
0xad: {  	[dreg:$0x0] =	wrdreg $0x60  }
0xae: {  	[dreg:$0x2] =	wrdreg s2  }
0xaf: {  	[dreg:$0x3] =	wrdreg s24  }
0xb0: {  	[dreg:$0x4] =	wrdreg $0x61800  }
0xb1: {  	[dreg:$0x5] =	wrdreg $0x9  }
0xb2: {  	_ =	task.clear_ibuf [dreg:s7], $0x6FFFF;
	_ =	strace $0x90000046  }
0xb3: {  	s29 =	simm.s32 $0x9;
	_ =	strace $0x80000048  }
0xb4: {  	_ =	swait.ge [sflag:s29], $0x1  }
0xb5: {  	[sflag:s29] =	ssyncadd.s32 $0xFFFFFFFF  }
0xb6: {  	_ =	strace $0x90000048  }
0xb7: {  	_ =	sfence  }
0xb8: {  	s30 =	sld [smem:$0x0];
	_ =	sdelay $0x2  }
0xb9: {  	s31 =	sshll.u32 s1, $0xD;
	s1 =	sshrl.u32 s1, $0x2  }
0xba: {  	s3 =	sand.u32 $0x4000, s31;
	s1 =	sadd.s32 s1, s30  }
0xbb: {  	s0 =	sor.u32 s3, s0;
	s1 =	sshll.u32 s1, $0x11  }
0xbc: {  	s0 =	sor.u32 s1, s0  }
0xbd: {  	s0 =	sadd.s32 $0x8F2B, s0  }
0xbe: {  	[sflag:s0] =	ssyncadd.remote.s32 $0x1  }
0xbf: {  	_ =	sfence.sel $0xFFFF  }
0xc0: {  	[dreg:$0x0] =	wrdreg $0xFFFFFFFF;
	(pc) =	sbr.abs _section_cstart, $3  }
0xc1: {  	[dreg:$0x1] =	wrdreg $0xFFFFFFFF  }
0xc2: {  	_ =	task.clear_ibuf [dreg:s7], $0x2FFFF;
	_ =	strace $0x9FFFFFFF  }
0xc3: {  	(tm) =	ssettm $0x7FFFFFFF  }
tec
execute0_lowered:
.L_overlay_start_1:
0x0: {  	(tag) =	ssettag $0x1  }
0x1: {  	s3 =	rddreg [dreg:$0x0]  }
0x2: {  	s4 =	rddreg [dreg:$0x1]  }
0x3: {  	v0 =	vimm.s32 $0xFEDCBA98;
	s0 =	rddreg [dreg:$0x2];
	s17 =	stileid.u32  }
0x4: {  	s1 =	simm.s32 $0x0;
	s2 =	srdreg.scid;
	v1 =	vimm.s32 $0x76543210;
	v2 =	vimm.s32 $0xBA98FEDC;
	s11 =	simm.s32 $0x400  }
0x5: {  	v3 =	vimm.s32 $0x32107654;
	v4 =	vimm.s32 $0xDCFE98BA;
	s12 =	simm.s32 $0x2000;
	s13 =	simm.s32 $0x4000;
	s14 =	simm.s32 $0x1  }
0x6: {  	v5 =	vimm.s32 $0x54761032;
	v6 =	vimm.s32 $0xEFCDAB89;
	v7 =	vimm.s32 $0x67452301;
	s15 =	simm.s32 $0x2;
	s16 =	simm.s32 $0x3;
	s18 =	simm.s32 $0x4  }
0x7: {  	s19 =	simm.s32 $0x0;
	v0 =	vunpack.c.l.s4.s8 v0;
	s5 =	sshll.u32 s17, $0xC;
	[smem:$0x7FF] =	sst s1;
	v1 =	vunpack.c.l.s4.s8 v1;
	v2 =	vunpack.c.l.s4.s8 v2  }
0x8: {  	s6 =	sand.u32 $0x1, s2;
	s2 =	rddreg [dreg:$0x3];
	s8 =	sshll.u32 s17, $0x4;
	v3 =	vunpack.c.l.s4.s8 v3;
	v4 =	vunpack.c.l.s4.s8 v4;
	v5 =	vunpack.c.l.s4.s8 v5  }
0x9: {  	v6 =	vunpack.c.l.s4.s8 v6;
	v7 =	vunpack.c.l.s4.s8 v7;
	p0 =	sne.s32 s17, $0x0;
	s17 =	simm.s32 $0x6000;
	s5 =	sand.u32 $0x8000, s5;
	v0 =	vunpack.c.0.s8.s32 v0  }
0xa: {  	s7 =	sshll.u32 s6, $0x10;
	_ =	strace $0x80000047;
	s30 =	sand.u32 $0x70, s8;
	v2 =	vunpack.c.0.s8.s32 v2;
	v3 =	vunpack.c.0.s8.s32 v3;
	v4 =	vunpack.c.0.s8.s32 v4  }
0xb: {  	s9 =	sshll.u32 s6, $0x1;
	s6 =	ssub.s32 $0x2, s6;
	s5 =	sor.u32 s7, s5;
	v5 =	vunpack.c.0.s8.s32 v5;
	v6 =	vunpack.c.0.s8.s32 v6;
	v7 =	vunpack.c.0.s8.s32 v7  }
0xc: {  	s9 =	sadd.s32 s9, s4;
	s31 =	sshrl.u32 s6, $0x1;
	s7 =	sadd.s32 s8, s0;
	v1 =	vunpack.c.0.s8.s32 v1;
	v2 =	vcombine.low v3, v2  }
0xd: {  	s5 =	sor.u32 s30, s5;
	s10 =	ssub.s32 s6, s31;
	s8 =	sadd.s32 $0x200, s9;
	v3 =	vcombine.low v5, v4;
	v4 =	vand.u32 $0xF, v0;
	v5 =	vcombine.low v7, v6  }
0xe: {  	s3 =	sadd.s32 s3, s5;
	s9 =	smax.u32 s10, $0x1;
	s10 =	simm.s32 $0x80;
	v0 =	vlaneseq.u32;
	v1 =	vcombine.low v4, v1  }
0xf: {  	s4 =	sadd.s32 $0x2000, s3;
	s5 =	sadd.s32 $0x4000, s3;
	s6 =	sadd.s32 $0x6000, s3;
	v2 =	vand.u32 $0xF, v2;
	v3 =	vand.u32 $0xF, v3;
	v4 =	vand.u32 $0xF, v5  }
.LBB2_1:
0x10: {  	[tilespmem:s1], [sflag:$0x1] =	stream.strided.gather [hbm4b:s3+s10], $0x2000, s11, s10, $0x38;
	[tilespmem:$0x6190] =	vst v63  }
0x11: {  	_ = 	snop  }
0x12: {  	[tilespmem:s12], [sflag:$0x2] =	stream.strided.gather [hbm4b:s4+s10], $0x2000, s11, s10, $0x38;
	[tilespmem:$0x6190] =	vst v63  }
0x13: {  	_ = 	snop  }
0x14: {  	[tilespmem:s13], [sflag:$0x3] =	stream.strided.gather [hbm4b:s5+s10], $0x2000, s11, s10, $0x38;
	[tilespmem:$0x6190] =	vst v63  }
0x15: {  	_ =	swait.ge [sflag:s14], $0x2000  }
0x16: {  	[sflag:s14] =	ssyncset.done $0x0  }
0x17: {  	s20 =	simm.s32 $0x40;
	[sflag:s14] =	ssyncadd.s32 $0xFFFFE000  }
0x18: {  	v5 =	vld [tilespmem:s20+$0xFFFFFFE0]  }
0x19: {  	v6 =	vld [tilespmem:s20+$0x30]  }
0x1a: {  	v7 =	vld [tilespmem:s20+$0x20]  }
0x1b: {  	v9 =	vld [tilespmem:s20+$0x0]  }
0x1c: {  	v14 =	vld [tilespmem:s20+$0x10]  }
0x1d: {  	v15 =	vld [tilespmem:s20+$0xFFFFFFD0]  }
0x1e: {  	v22 =	vld [tilespmem:s20+$0xFFFFFFF0]  }
0x1f: {  	v8 =	vimm.f32 $+Inf;
	v23 =	vld [tilespmem:s20+$0xFFFFFFC0]  }
0x20: {  	v24 =	vimm.s32 $0x0;
	vm0 =	vlt.f32 v5, v8;
	v5 =	vmin.f32 v5, v8  }
0x21: {  	s31 =	simm.s32 $0xC0;
	vm10 =	vlt.f32 v6, v8;
	v10 =	vmin.f32 v7, v8;
	vm11 =	vlt.f32 v9, v8  }
0x22: {  	v20 =	vld [tilespmem:s31+$0xFFFFFFE0];
	v9 =	vmin.f32 v9, v8;
	vm1 =	vlt.f32 v7, v8;
	v13 =	vmin.f32 v14, v8  }
0x23: {  	v26 =	vld [tilespmem:s31+$0x30];
	v16 =	vmin.f32 v15, v8;
	v12 =	vmin.f32 v6, v8;
	vm12 =	vlt.f32 v15, v8  }
0x24: {  	s23 =	simm.s32 $0x0;
	v25 =	vld [tilespmem:s31+$0x20];
	vm13 =	vlt.f32 v22, v8;
	vm2 =	vlt.f32 v14, v8;
	vm3 =	vlt.f32 v23, v8  }
0x25: {  	v30 =	vld [tilespmem:s31+$0x0];
	v22 =	vmin.f32 v22, v8;
	v21 =	vsel vm0, s23, v24;
	v29 =	vsel vm10, s23, v24  }
0x26: {  	v19 =	vld [tilespmem:s31+$0x10];
	v11 =	vsel vm11, s23, v24;
	v17 =	vsel vm1, s23, v24;
	v18 =	vsel vm13, s23, v24  }
0x27: {  	s21 =	simm.s32 $0x80;
	v28 =	vld [tilespmem:s31+$0xFFFFFFD0];
	v14 =	vsel vm2, s23, v24;
	vm14 =	vlt.f32 v20, v5;
	v6 =	vmin.f32 v20, v5  }
0x28: {  	v20 =	vsel vm3, s23, v24;
	vm15 =	vlt.f32 v26, v12;
	v7 =	vsel vm14, s21, v21;
	v21 =	vld [tilespmem:s31+$0xFFFFFFF0]  }
0x29: {  	s22 =	simm.s32 $0x140;
	v27 =	vld [tilespmem:s31+$0xFFFFFFC0];
	s20 =	simm.s32 $0x80;
	v5 =	vmin.f32 v25, v10;
	v24 =	vsel vm12, s23, v24;
	v31 =	vmovc v16;
	v15 =	vsel vm15, s21, v29;
	v29 =	vmovc v13  }
.LBB2_2:
0x2a: {  	s21 =	sadd.s32 $0x80, s21;
	v32 =	vld [tilespmem:s22+$0xFFFFFFE0];
	vm0 =	vlt.f32 v30, v9;
	v9 =	vmin.f32 v30, v9;
	vm1 =	vlt.f32 v25, v10;
	v10 =	vmovc v5  }
0x2b: {  	v8 =	vmin.f32 v23, v8;
	v33 =	vld [tilespmem:s22+$0x30];
	p1 =	slt.u32 s21, $0x1F80;
	v11 =	vsel vm0, s20, v11;
	v13 =	vmin.f32 v19, v13  }
0x2c: {  	v12 =	vmin.f32 v26, v12;
	v17 =	vsel vm1, s20, v17;
	v25 =	vld [tilespmem:s22+$0x20];
	v16 =	vmin.f32 v28, v16  }
.Ltmp0:
0x2d: {  	vm2 =	vlt.f32 v19, v29;
	vm0 =	vlt.f32 v28, v31;
	v29 =	vmovc v13;
	v30 =	vld [tilespmem:s22+$0x0];
	vm1 =	vlt.f32 v21, v22;
	(pc) =	sbr.rel @p1 .LBB2_2-.Ltmp0, $4  }
0x2e: {  	v14 =	vsel vm2, s20, v14;
	v31 =	vmovc v16;
	v19 =	vld [tilespmem:s22+$0x10];
	vm3 =	vlt.f32 v27, v8;
	v18 =	vsel vm1, s20, v18;
	v23 =	vmovc v27  }
0x2f: {  	v28 =	vld [tilespmem:s22+$0xFFFFFFD0];
	vm1 =	vlt.f32 v32, v6;
	v6 =	vmin.f32 v32, v6;
	v20 =	vsel vm3, s20, v20  }
0x30: {  	v22 =	vmin.f32 v21, v22;
	v7 =	vsel vm1, s21, v7;
	vm1 =	vlt.f32 v33, v12;
	v21 =	vld [tilespmem:s22+$0xFFFFFFF0];
	v26 =	vmovc v33  }
0x31: {  	v24 =	vsel vm0, s20, v24;
	s20 =	smov.u32 s21;
	v27 =	vld [tilespmem:s22+$0xFFFFFFC0];
	v5 =	vmin.f32 v25, v5;
	v15 =	vsel vm1, s21, v15;
	s22 =	sadd.s32 $0x80, s22  }
0x32: {  	[tilespmem:s1], [sflag:$0x1] =	stream.strided.gather [hbm4b:s6+s10], $0x2000, s11, s10, $0x38;
	[tilespmem:$0x6190] =	vst v63  }
0x33: {  	_ =	swait.ge [sflag:s15], $0x2000  }
0x34: {  	[sflag:s15] =	ssyncset.done $0x0  }
0x35: {  	s22 =	simm.s32 $0x2040;
	[sflag:s15] =	ssyncadd.s32 $0xFFFFE000  }
0x36: {  	vm1 =	vlt.f32 v25, v10;
	v10 =	vmin.f32 v19, v13;
	v13 =	vld [tilespmem:s22+$0x30]  }
0x37: {  	vm0 =	vlt.f32 v30, v9;
	v63 =	vmin.f32 v23, v8;
	v8 =	vsel vm1, s20, v17;
	v17 =	vld [tilespmem:s22+$0xFFFFFFC0]  }
0x38: {  	v11 =	vsel vm0, s20, v11;
	v32 =	vmin.f32 v28, v16;
	vm0 =	vlt.f32 v28, v31;
	v28 =	vld [tilespmem:s22+$0xFFFFFFD0]  }
0x39: {  	v9 =	vmin.f32 v30, v9;
	v12 =	vmin.f32 v26, v12;
	vm2 =	vlt.f32 v19, v29  }
0x3a: {  	v16 =	vsel vm2, s20, v14;
	vm1 =	vlt.f32 v21, v22;
	v21 =	vmin.f32 v21, v22;
	v25 =	vld [tilespmem:s22+$0xFFFFFFE0]  }
0x3b: {  	v14 =	vsel vm0, s20, v24;
	vm3 =	vlt.f32 v27, v63;
	v23 =	vsel vm1, s20, v18;
	v22 =	vld [tilespmem:s22+$0xFFFFFFF0]  }
0x3c: {  	v19 =	vmin.f32 v27, v63;
	v24 =	vld [tilespmem:s22+$0x0];
	v18 =	vsel vm3, s20, v20;
	vm0 =	vlt.f32 v13, v12  }
0x3d: {  	v26 =	vld [tilespmem:s22+$0x10];
	s20 =	simm.s32 $0x2000;
	vm1 =	vlt.f32 v17, v19;
	v17 =	vmin.f32 v17, v19;
	v19 =	vmin.f32 v28, v32  }
0x3e: {  	s21 =	simm.s32 $0x0;
	v27 =	vld [tilespmem:s22+$0x20];
	s22 =	simm.s32 $0x20C0;
	v15 =	vsel vm0, s20, v15;
	v18 =	vsel vm1, s20, v18;
	vm0 =	vlt.f32 v28, v32  }
.LBB2_4:
0x3f: {  	v20 =	vld [tilespmem:s22+$0x30];
	v14 =	vsel vm0, s20, v14;
	vm0 =	vlt.f32 v25, v6;
	v6 =	vmin.f32 v25, v6;
	s23 =	smov.u32 s21;
	s21 =	sadd.s32 $0x80, s21  }
0x40: {  	v28 =	vld [tilespmem:s22+$0xFFFFFFC0];
	p1 =	slt.u32 s21, $0x1F80;
	v7 =	vsel vm0, s20, v7;
	vm0 =	vlt.f32 v22, v21;
	v21 =	vmin.f32 v22, v21  }
0x41: {  	v29 =	vld [tilespmem:s22+$0xFFFFFFD0];
	v23 =	vsel vm0, s20, v23;
	vm0 =	vlt.f32 v24, v9;
	v9 =	vmin.f32 v24, v9  }
.Ltmp1:
0x42: {  	v25 =	vld [tilespmem:s22+$0xFFFFFFE0];
	v11 =	vsel vm0, s20, v11;
	vm0 =	vlt.f32 v26, v10;
	v10 =	vmin.f32 v26, v10;
	(pc) =	sbr.rel @p1 .LBB2_4-.Ltmp1, $4  }
0x43: {  	v12 =	vmin.f32 v13, v12;
	v22 =	vld [tilespmem:s22+$0xFFFFFFF0];
	vm1 =	vlt.f32 v27, v5;
	v5 =	vmin.f32 v27, v5  }
0x44: {  	v16 =	vsel vm0, s20, v16;
	v24 =	vld [tilespmem:s22+$0x0];
	vm2 =	vlt.f32 v20, v12;
	v8 =	vsel vm1, s20, v8;
	s20 =	sadd.s32 $0x2080, s23;
	v13 =	vmovc v20  }
0x45: {  	vm0 =	vlt.f32 v28, v17;
	v17 =	vmin.f32 v28, v17;
	v26 =	vld [tilespmem:s22+$0x10];
	v15 =	vsel vm2, s20, v15  }
0x46: {  	v18 =	vsel vm0, s20, v18;
	vm0 =	vlt.f32 v29, v19;
	v19 =	vmin.f32 v29, v19;
	v27 =	vld [tilespmem:s22+$0x20];
	s22 =	sadd.s32 $0x80, s22  }
0x47: {  	_ =	swait.ge [sflag:s16], $0x2000  }
0x48: {  	[sflag:s16] =	ssyncset.done $0x0  }
0x49: {  	s22 =	simm.s32 $0x4040;
	[sflag:s16] =	ssyncadd.s32 $0xFFFFE000  }
0x4a: {  	v20 =	vsel vm0, s20, v14;
	vm0 =	vlt.f32 v25, v6;
	v6 =	vmin.f32 v25, v6;
	v14 =	vld [tilespmem:s22+$0x30]  }
0x4b: {  	v7 =	vsel vm0, s20, v7;
	vm0 =	vlt.f32 v22, v21;
	v21 =	vmin.f32 v22, v21;
	v25 =	vld [tilespmem:s22+$0xFFFFFFC0]  }
0x4c: {  	v22 =	vsel vm0, s20, v23;
	vm0 =	vlt.f32 v24, v9;
	v23 =	vmin.f32 v24, v9;
	v24 =	vld [tilespmem:s22+$0xFFFFFFD0]  }
0x4d: {  	v12 =	vmin.f32 v13, v12;
	v11 =	vsel vm0, s20, v11;
	vm0 =	vlt.f32 v26, v10;
	v9 =	vld [tilespmem:s22+$0xFFFFFFE0]  }
0x4e: {  	v10 =	vmin.f32 v26, v10;
	vm1 =	vlt.f32 v27, v5;
	v5 =	vmin.f32 v27, v5;
	v27 =	vld [tilespmem:s22+$0xFFFFFFF0]  }
0x4f: {  	v13 =	vsel vm0, s20, v16;
	v16 =	vsel vm1, s20, v8;
	s20 =	simm.s32 $0x4000;
	v8 =	vld [tilespmem:s22+$0x0];
	vm0 =	vlt.f32 v14, v12  }
0x50: {  	v28 =	vld [tilespmem:s22+$0x10];
	vm1 =	vlt.f32 v25, v17;
	v17 =	vmin.f32 v25, v17;
	v15 =	vsel vm0, s20, v15  }
0x51: {  	s21 =	simm.s32 $0x0;
	v30 =	vld [tilespmem:s22+$0x20];
	s22 =	simm.s32 $0x40C0;
	v18 =	vsel vm1, s20, v18;
	vm0 =	vlt.f32 v24, v19;
	v19 =	vmin.f32 v24, v19  }
.LBB2_6:
0x52: {  	v24 =	vld [tilespmem:s22+$0x30];
	v20 =	vsel vm0, s20, v20;
	vm0 =	vlt.f32 v9, v6;
	v6 =	vmin.f32 v9, v6;
	s23 =	smov.u32 s21;
	s21 =	sadd.s32 $0x80, s21  }
0x53: {  	v25 =	vld [tilespmem:s22+$0xFFFFFFC0];
	p1 =	slt.u32 s21, $0x1F80;
	v7 =	vsel vm0, s20, v7;
	vm0 =	vlt.f32 v27, v21;
	v21 =	vmin.f32 v27, v21  }
0x54: {  	v26 =	vld [tilespmem:s22+$0xFFFFFFD0];
	v22 =	vsel vm0, s20, v22;
	vm0 =	vlt.f32 v8, v23;
	v23 =	vmin.f32 v8, v23  }
.Ltmp2:
0x55: {  	v9 =	vld [tilespmem:s22+$0xFFFFFFE0];
	v11 =	vsel vm0, s20, v11;
	vm0 =	vlt.f32 v28, v10;
	v10 =	vmin.f32 v28, v10;
	(pc) =	sbr.rel @p1 .LBB2_6-.Ltmp2, $4  }
0x56: {  	v12 =	vmin.f32 v14, v12;
	v27 =	vld [tilespmem:s22+$0xFFFFFFF0];
	vm1 =	vlt.f32 v30, v5;
	v5 =	vmin.f32 v30, v5  }
0x57: {  	v13 =	vsel vm0, s20, v13;
	v8 =	vld [tilespmem:s22+$0x0];
	vm2 =	vlt.f32 v24, v12;
	v16 =	vsel vm1, s20, v16;
	s20 =	sadd.s32 $0x4080, s23;
	v14 =	vmovc v24  }
0x58: {  	vm0 =	vlt.f32 v25, v17;
	v17 =	vmin.f32 v25, v17;
	v28 =	vld [tilespmem:s22+$0x10];
	v15 =	vsel vm2, s20, v15  }
0x59: {  	v18 =	vsel vm0, s20, v18;
	vm0 =	vlt.f32 v26, v19;
	v19 =	vmin.f32 v26, v19;
	v30 =	vld [tilespmem:s22+$0x20];
	s22 =	sadd.s32 $0x80, s22  }
0x5a: {  	_ =	swait.ge [sflag:s14], $0x2000  }
0x5b: {  	[sflag:s14] =	ssyncset.done $0x0  }
0x5c: {  	s22 =	simm.s32 $0x40;
	[sflag:s14] =	ssyncadd.s32 $0xFFFFE000  }
0x5d: {  	v24 =	vsel vm0, s20, v20;
	vm0 =	vlt.f32 v9, v6;
	v25 =	vmin.f32 v9, v6;
	v9 =	vld [tilespmem:s22+$0x30]  }
0x5e: {  	v31 =	vld [tilespmem:s22+$0xFFFFFFC0]  }
0x5f: {  	v26 =	vsel vm0, s20, v7;
	vm0 =	vlt.f32 v27, v21;
	v21 =	vmin.f32 v27, v21;
	v32 =	vld [tilespmem:s22+$0xFFFFFFD0]  }
0x60: {  	v22 =	vsel vm0, s20, v22;
	vm0 =	vlt.f32 v8, v23;
	v23 =	vmin.f32 v8, v23  }
0x61: {  	v27 =	vsel vm0, s20, v11;
	vm0 =	vlt.f32 v28, v10;
	v20 =	vmin.f32 v28, v10;
	v29 =	vld [tilespmem:s22+$0xFFFFFFE0]  }
0x62: {  	v10 =	vmin.f32 v14, v12;
	v28 =	vld [tilespmem:s22+$0xFFFFFFF0];
	vm1 =	vlt.f32 v30, v5;
	v6 =	vmin.f32 v30, v5  }
0x63: {  	v8 =	vsel vm0, s20, v13;
	v7 =	vsel vm1, s20, v16;
	v16 =	vld [tilespmem:s22+$0x0];
	vm0 =	vlt.f32 v9, v10  }
0x64: {  	s20 =	simm.s32 $0x6000;
	vm1 =	vlt.f32 v31, v17;
	v12 =	vmin.f32 v31, v17;
	v17 =	vld [tilespmem:s22+$0x10];
	v13 =	vmin.f32 v32, v19  }
0x65: {  	s21 =	simm.s32 $0x0;
	v11 =	vld [tilespmem:s22+$0x20];
	s22 =	simm.s32 $0xC0;
	v5 =	vsel vm0, s20, v15;
	v14 =	vsel vm1, s20, v18;
	vm0 =	vlt.f32 v32, v19  }
.LBB2_8:
0x66: {  	v15 =	vld [tilespmem:s22+$0x30];
	v24 =	vsel vm0, s20, v24;
	vm0 =	vlt.f32 v29, v25;
	v25 =	vmin.f32 v29, v25;
	s23 =	smov.u32 s21;
	s21 =	sadd.s32 $0x80, s21  }
0x67: {  	v18 =	vld [tilespmem:s22+$0xFFFFFFC0];
	p1 =	slt.u32 s21, $0x1F80;
	v26 =	vsel vm0, s20, v26;
	vm0 =	vlt.f32 v28, v21;
	v21 =	vmin.f32 v28, v21  }
0x68: {  	v19 =	vld [tilespmem:s22+$0xFFFFFFD0];
	v22 =	vsel vm0, s20, v22;
	vm0 =	vlt.f32 v16, v23;
	v23 =	vmin.f32 v16, v23  }
.Ltmp3:
0x69: {  	v29 =	vld [tilespmem:s22+$0xFFFFFFE0];
	v27 =	vsel vm0, s20, v27;
	vm0 =	vlt.f32 v17, v20;
	v20 =	vmin.f32 v17, v20;
	(pc) =	sbr.rel @p1 .LBB2_8-.Ltmp3, $4  }
0x6a: {  	v10 =	vmin.f32 v9, v10;
	v28 =	vld [tilespmem:s22+$0xFFFFFFF0];
	vm1 =	vlt.f32 v11, v6;
	v6 =	vmin.f32 v11, v6  }
0x6b: {  	v8 =	vsel vm0, s20, v8;
	v16 =	vld [tilespmem:s22+$0x0];
	vm2 =	vlt.f32 v15, v10;
	v7 =	vsel vm1, s20, v7;
	s20 =	sadd.s32 $0x6080, s23;
	v9 =	vmovc v15  }
0x6c: {  	vm0 =	vlt.f32 v18, v12;
	v12 =	vmin.f32 v18, v12;
	v17 =	vld [tilespmem:s22+$0x10];
	v5 =	vsel vm2, s20, v5  }
0x6d: {  	v14 =	vsel vm0, s20, v14;
	vm0 =	vlt.f32 v19, v13;
	v13 =	vmin.f32 v19, v13;
	v11 =	vld [tilespmem:s22+$0x20];
	s22 =	sadd.s32 $0x80, s22  }
0x6e: {  	v15 =	vsel vm0, s20, v24  }
0x6f: {  	vm12 =	vlt.f32 v29, v25;
	v18 =	vmin.f32 v29, v25;
	v44 =	vor.u32 $0x10, v0  }
0x70: {  	v14 =	vadd.s32 v0, v14;
	vm15 =	veq.f32 v13, v12;
	vm3 =	vlt.f32 v13, v12  }
0x71: {  	v47 =	vor.u32 $0x20, v0;
	v50 =	vor.u32 $0x30, v0;
	v9 =	vmin.f32 v9, v10  }
0x72: {  	v53 =	vor.u32 $0x40, v0;
	vm1 =	vlt.f32 v28, v21;
	v15 =	vadd.s32 v44, v15  }
0x73: {  	v19 =	vsel vm12, s20, v26;
	v42 =	vmin.f32 v28, v21;
	vm2 =	vlt.s32 v15, v14  }
0x74: {  	v12 =	vsel vm3, v13, v12;
	v22 =	vsel vm1, s20, v22;
	vm1 =	vmand vm15, vm2  }
0x75: {  	vm13 =	vlt.f32 v16, v23;
	v43 =	vmin.f32 v16, v23;
	vm1 =	vmor vm3, vm1  }
0x76: {  	v48 =	vadd.s32 v47, v19;
	vm6 =	vlt.f32 v18, v12;
	v14 =	vsel vm1, v15, v14  }
0x77: {  	vm7 =	veq.f32 v18, v12;
	v12 =	vsel vm6, v18, v12;
	vm8 =	vlt.s32 v48, v14  }
0x78: {  	v45 =	vsel vm13, s20, v27;
	vm9 =	vlt.f32 v42, v12;
	vm2 =	vmand vm7, vm8  }
0x79: {  	v46 =	vmin.f32 v17, v20;
	v51 =	vsel vm9, v42, v12;
	vm1 =	vmor vm6, vm2  }
0x7a: {  	v18 =	vadd.s32 v50, v22;
	vm10 =	vlt.f32 v43, v51;
	v13 =	vsel vm1, v48, v14  }
0x7b: {  	vm11 =	veq.f32 v42, v12;
	v52 =	vsel vm10, v43, v51;
	vm4 =	vlt.s32 v18, v13  }
0x7c: {  	vm14 =	vlt.f32 v17, v20;
	vm12 =	vlt.f32 v46, v52;
	vm2 =	vmand vm11, vm4  }
0x7d: {  	v49 =	vmin.f32 v11, v6;
	v54 =	vsel vm12, v46, v52;
	vm2 =	vmor vm9, vm2  }
0x7e: {  	v10 =	vadd.s32 v53, v45;
	v13 =	vsel vm2, v18, v13;
	vm2 =	vlt.f32 v49, v54  }
0x7f: {  	vm13 =	veq.f32 v43, v51;
	vm5 =	vlt.s32 v10, v13;
	v55 =	vsel vm2, v49, v54  }
0x80: {  	v8 =	vsel vm14, s20, v8;
	vm14 =	vmand vm13, vm5;
	vm3 =	vlt.f32 v9, v55  }
0x81: {  	v56 =	vor.u32 $0x50, v0;
	vm0 =	vmor vm10, vm14;
	v57 =	vsel vm3, v9, v55  }
0x82: {  	v8 =	vadd.s32 v56, v8;
	v10 =	vsel vm0, v10, v13;
	v58 =	vperm.xlane v57, v1  }
0x83: {  	vm15 =	vlt.f32 v11, v6;
	vm8 =	veq.f32 v46, v52;
	vm9 =	vlt.s32 v8, v10  }
0x84: {  	v6 =	vsel vm15, s20, v7;
	vm10 =	vmand vm8, vm9;
	v7 =	vmin.f32 v57, v58  }
0x85: {  	v59 =	vor.u32 $0x60, v0;
	vm0 =	vmor vm12, vm10;
	v60 =	vperm.xlane v7, v2  }
0x86: {  	v6 =	vadd.s32 v59, v6;
	v8 =	vsel vm0, v8, v10  }
0x87: {  	vm11 =	veq.f32 v49, v54;
	vm12 =	vlt.s32 v6, v8;
	v7 =	vmin.f32 v7, v60  }
0x88: {  	vm0 =	vmand vm11, vm12;
	v61 =	vperm.xlane v7, v3  }
0x89: {  	v62 =	vor.u32 $0x70, v0;
	vm0 =	vmor vm2, vm0  }
0x8a: {  	v5 =	vadd.s32 v62, v5;
	v6 =	vsel vm0, v6, v8;
	v7 =	vmin.f32 v7, v61  }
0x8b: {  	vm13 =	veq.f32 v9, v55;
	vm14 =	vlt.s32 v5, v6;
	v63 =	vperm.xlane v7, v4  }
0x8c: {  	vm0 =	vmand vm13, vm14  }
0x8d: {  	vm0 =	vmor vm3, vm0;
	v7 =	vmin.f32 v7, v63  }
0x8e: {  	v5 =	vsel vm0, v5, v6;
	vm15 =	veq.f32 v57, v7  }
0x8f: {  	v5 =	vnsel vm15, $0x7FFFFFFF, v5  }
0x90: {  	v6 =	vperm.xlane v5, v1;
	_ =	sdelay $0x1  }
0x91: {  	vm0 =	vlt.s32 v5, v6  }
0x92: {  	v5 =	vsel vm0, v5, v6  }
0x93: {  	v6 =	vperm.xlane v5, v2;
	_ =	sdelay $0x1  }
0x94: {  	vm0 =	vlt.s32 v5, v6  }
0x95: {  	v5 =	vsel vm0, v5, v6  }
0x96: {  	v6 =	vperm.xlane v5, v3;
	_ =	sdelay $0x1  }
0x97: {  	vm0 =	vlt.s32 v5, v6  }
0x98: {  	v5 =	vsel vm0, v5, v6  }
0x99: {  	v6 =	vperm.xlane v5, v4;
	_ =	sdelay $0x1  }
0x9a: {  	vm0 =	vlt.s32 v5, v6  }
0x9b: {  	v5 =	vsel vm0, v5, v6  }
0x9c: {  	[tilespmem:$0x6000] =	vst v5  }
0x9d: {  	[spmem:s7] =	stream.linear.scatter [tilespmem:s17], [sflag:$0x4], $0x10, $0x38;
	[tilespmem:$0x6190] =	vst v63  }
0x9e: {  	_ =	swait.ge [sflag:s18], $0x10  }
0x9f: {  	[sflag:s18] =	ssyncset.done $0x0  }
0xa0: {  	[sflag:s18] =	ssyncadd.s32 $0xFFFFFFF0  }
0xa1: {  	s20 =	simm.s32 @!p0 $0x6080;
	[bflag:$0x0] =	sbarrier.arrive $0xFFFF  }
0xa2: {  	[tilespmem:s20], [sflag:$0x4] =	stream.linear.gather @!p0 [spmem:s0], $0x100, $0x38;
	[tilespmem:$0x6190] =	vst v63  }
0xa3: {  	s20 =	simm.s32 @!p0 $0x4  }
0xa4: {  	_ =	swait.ge @!p0 [sflag:s20], $0x100  }
0xa5: {  	[sflag:s20] =	ssyncset.done @!p0 $0x0  }
0xa6: {  	[sflag:s20] =	ssyncadd.s32 @!p0 $0xFFFFFF00  }
0xa7: {  	v5 =	vld @!p0 [tilespmem:$0x6080]  }
0xa8: {  	v6 =	vld @!p0 [tilespmem:$0x6090]  }
0xa9: {  	v7 =	vld @!p0 [tilespmem:$0x60A0]  }
0xaa: {  	v8 =	vld @!p0 [tilespmem:$0x60B0]  }
0xab: {  	v9 =	vld @!p0 [tilespmem:$0x60C0]  }
0xac: {  	vm0 =	vmmov @!p0 $0x1;
	v10 =	vld @!p0 [tilespmem:$0x60D0]  }
0xad: {  	v5 =	vsel @!p0 vm0, v5, v6;
	vm0 =	vmmov @!p0 $0x3;
	v6 =	vld @!p0 [tilespmem:$0x60E0]  }
0xae: {  	v5 =	vsel @!p0 vm0, v5, v7;
	vm0 =	vmmov @!p0 $0x7;
	v7 =	vld @!p0 [tilespmem:$0x60F0]  }
0xaf: {  	v5 =	vsel @!p0 vm0, v5, v8;
	vm0 =	vmmov @!p0 $0xf;
	v8 =	vld @!p0 [tilespmem:$0x6100]  }
0xb0: {  	v5 =	vsel @!p0 vm0, v5, v9;
	vm0 =	vmmov @!p0 $0x1f;
	v9 =	vld @!p0 [tilespmem:$0x6110]  }
0xb1: {  	v5 =	vsel @!p0 vm0, v5, v10;
	vm0 =	vmmov @!p0 $0x3f;
	v10 =	vld @!p0 [tilespmem:$0x6120]  }
0xb2: {  	v5 =	vsel @!p0 vm0, v5, v6;
	vm0 =	vmmov @!p0 $0x7f;
	v6 =	vld @!p0 [tilespmem:$0x6130]  }
0xb3: {  	v5 =	vsel @!p0 vm0, v5, v7;
	vm0 =	vmmov @!p0 $0xff;
	v7 =	vld @!p0 [tilespmem:$0x6140]  }
0xb4: {  	v5 =	vsel @!p0 vm0, v5, v8;
	vm0 =	vmmov @!p0 $0x1ff;
	v8 =	vld @!p0 [tilespmem:$0x6150]  }
0xb5: {  	v5 =	vsel @!p0 vm0, v5, v9;
	vm0 =	vmmov @!p0 $0x3ff;
	v9 =	vld @!p0 [tilespmem:$0x6160]  }
0xb6: {  	v5 =	vsel @!p0 vm0, v5, v10;
	vm0 =	vmmov @!p0 $0x7ff;
	v10 =	vld @!p0 [tilespmem:$0x6170]  }
0xb7: {  	v5 =	vsel @!p0 vm0, v5, v6;
	vm0 =	vmmov @!p0 $0xfff  }
0xb8: {  	v5 =	vsel @!p0 vm0, v5, v7;
	vm0 =	vmmov @!p0 $0x1fff  }
0xb9: {  	v5 =	vsel @!p0 vm0, v5, v8;
	vm0 =	vmmov @!p0 $0x3fff  }
0xba: {  	s19 =	sadd.s32 $0x1, s19;
	v5 =	vsel @!p0 vm0, v5, v9;
	vm0 =	vmmov @!p0 $0x7fff  }
0xbb: {  	p1 =	sne.s32 s19, s9;
	v5 =	vsel @!p0 vm0, v5, v10  }
.Ltmp4:
0xbc: {  	s21 =	simm.s32 @!p0 $0x0;
	s22 =	simm.s32 @!p0 $0x6000;
	[tilespmem:$0x6000] =	vst @!p0 v5;
	(pc) =	sbr.rel @p1 .LBB2_1-.Ltmp4, $4  }
0xbd: {  	[hbm4b:s8+s21] =	stream.linear.scatter @!p0 [tilespmem:s22], [sflag:$0x4], $0x10, $0x38;
	[tilespmem:$0x6190] =	vst v63  }
0xbe: {  	_ =	swait.ge @!p0 [sflag:s20], $0x10  }
0xbf: {  	[sflag:s20] =	ssyncset.done @!p0 $0x0  }
0xc0: {  	[sflag:s20] =	ssyncadd.s32 @!p0 $0xFFFFFFF0  }
0xc1: {  	_ =	sfence.sel $0x180000  }
0xc2: {  	[bflag:$0x0] =	sbarrier.arrive $0xFFFF  }
0xc3: {  	_ =	strace $0x90000047  }
0xc4: {  	s0 =	sadd.s32 @!p0 $0x100000, s2;
	[bflag:$0x2] =	sbarrier.arrive $0xFFFF  }
0xc5: {  	[sflag:s0] =	ssyncadd.tile.s32 @!p0 $0x1;
	_ =	shalt  }
.Lfunc_end2:
_tile_overlayer_lowered:
.L_overlay_start_2:
0xc6: {  	(tag) =	ssettag $0x2  }
0xc7: {  	s0 =	rddreg [dreg:$0x0];
	s2 =	stileid.u32  }
0xc8: {  	s1 =	rddreg [dreg:$0x1];
	p0 =	sne.s32 s2, $0x0  }
0xc9: {  	s3 =	rddreg [dreg:$0x2];
	[bflag:$0x3] =	sbarrier.arrive $0xFFFF;
	s2 =	simm.s32 @!p0 $0x1C04  }
0xca: {  	[timem:s3], [sflag:s2] =	dma.local @!p0 [hbm:s0], s1  }
0xcb: {  	s0 =	simm.s32 @!p0 $0x4  }
0xcc: {  	_ =	swait.ge @!p0 [sflag:s0], s1  }
0xcd: {  	s1 =	ssub.s32 @!p0 $0x0, s1;
	[sflag:s0] =	ssyncset.done @!p0 $0x0  }
0xce: {  	[sflag:s0] =	ssyncadd.s32 @!p0 s1  }
0xcf: {  	[bflag:$0x3] =	sbarrier.arrive $0xFFFF  }
0xd0: {  	_ =	shalt  }

</sc_bundles>
